<compile_context>
chip_gen: v7x
topology: tpu7x:2x2x1
jax: 0.10.2.dev20260603
libtpu: 0.0.44.dev20260713+nightly
codegen_flags: <defaults>
</compile_context>

<pallas_src>
import functools

import jax
import jax.numpy as jnp
from jax import lax
from jax.experimental import pallas as pl
from jax.experimental.pallas import tpu as pltpu
from jax.experimental.pallas import tpu_sc as plsc

N = 8192
R = 128
S_TC = 5632
N_SC = N - S_TC
NW = 32
QW = N_SC // NW
CH = N // 16

_INF = float("inf")



def _tc_main_body(posT2_ref, colbase_ref, anum_ref, c0_ref, c1_ref, c2_ref,
                  pos_full_ref, o0_ref, o1_ref, o2_ref):
    i = pl.program_id(0)
    xr = pos_full_ref[pl.ds(i * R, R), :]

    xr0 = xr[:, 0:1]
    xr1 = xr[:, 1:2]
    xr2 = xr[:, 2:3]
    r2r = xr0 * xr0 + xr1 * xr1 + xr2 * xr2

    dot2 = jnp.dot(xr, posT2_ref[...], preferred_element_type=jnp.float32)
    dm = (r2r + colbase_ref[...]) - dot2

    iota = jax.lax.broadcasted_iota(jnp.int32, (R, N), 1).astype(jnp.float32)
    pos_tab = pos_full_ref[...]

    gs = []
    for t in range(3):
        m = jnp.min(dm, axis=1, keepdims=True)
        idx = jnp.min(jnp.where(dm == m, iota, jnp.float32(2 * N)),
                      axis=1, keepdims=True)
        oh = iota == idx
        g = jnp.dot(jnp.where(oh, 1.0, 0.0), pos_tab,
                    preferred_element_type=jnp.float32)
        gs.append(g)
        if t < 2:
            dm = jnp.where(oh, jnp.inf, dm)

    is_heavy = anum_ref[...] != 1
    ga = jnp.where(is_heavy, gs[1], gs[0])
    gb = jnp.where(is_heavy, gs[2], gs[1])
    _frames_rotate(ga - xr, gb - xr, c0_ref, c1_ref, c2_ref,
                   o0_ref, o1_ref, o2_ref)


def _frames_rotate(rel_a, rel_b, c0_ref, c1_ref, c2_ref,
                   o0_ref, o1_ref, o2_ref):
    la = jnp.sqrt(jnp.sum(rel_a * rel_a, axis=1, keepdims=True))
    lb = jnp.sqrt(jnp.sum(rel_b * rel_b, axis=1, keepdims=True))
    take_a = (la - lb) <= 0.0
    p1 = jnp.where(take_a, rel_a, rel_b)
    p2 = jnp.where(take_a, rel_b, rel_a)

    e1 = p1 / jnp.sqrt(jnp.sum(p1 * p1, axis=1, keepdims=True))
    proj = jnp.sum(p2 * e1, axis=1, keepdims=True)
    u2 = p2 - proj * e1
    e2 = u2 / jnp.sqrt(jnp.sum(u2 * u2, axis=1, keepdims=True))
    e3 = jnp.concatenate([
        e1[:, 1:2] * e2[:, 2:3] - e1[:, 2:3] * e2[:, 1:2],
        e1[:, 2:3] * e2[:, 0:1] - e1[:, 0:1] * e2[:, 2:3],
        e1[:, 0:1] * e2[:, 1:2] - e1[:, 1:2] * e2[:, 0:1],
    ], axis=1)
    c0 = c0_ref[...]
    c1 = c1_ref[...]
    c2 = c2_ref[...]
    for e, o_ref in ((e1, o0_ref), (e2, o1_ref), (e3, o2_ref)):
        o_ref[...] = e[:, 0:1] * c0 + e[:, 1:2] * c1 + e[:, 2:3] * c2



def _sc_knn_make():
    mesh = plsc.VectorSubcoreMesh(core_axis_name="c", subcore_axis_name="s")

    @functools.partial(
        pl.kernel, mesh=mesh,
        out_type=[jax.ShapeDtypeStruct((N_SC,), jnp.float32)] * 3,
        scratch_types=[
            pltpu.VMEM((N,), jnp.float32),
            pltpu.VMEM((N,), jnp.float32),
            pltpu.VMEM((N,), jnp.float32),
            pltpu.VMEM((N,), jnp.float32),
            pltpu.VMEM((QW,), jnp.float32),
            pltpu.VMEM((QW,), jnp.float32),
            pltpu.VMEM((QW,), jnp.float32),
        ],
    )
    def knn(xs_h, ys_h, zs_h, cb_h,
            oj1, oj2, oj3,
            xs, ys, zs, cb, j1v, j2v, j3v):
        wid = lax.axis_index("s") * 2 + lax.axis_index("c")
        base = wid * QW
        pltpu.sync_copy(xs_h, xs)
        pltpu.sync_copy(ys_h, ys)
        pltpu.sync_copy(zs_h, zs)
        pltpu.sync_copy(cb_h, cb)

        def per_group(g, carry):
            qoff = S_TC + base + g * 16
            qx = xs[pl.ds(qoff, 16)]
            qy = ys[pl.ds(qoff, 16)]
            qz = zs[pl.ds(qoff, 16)]
            qx2 = qx + qx
            qy2 = qy + qy
            qz2 = qz + qz

            def per_chunk(c, st):
                m1, m2, m3, i1, i2, i3 = st
                off = c * 16
                xc = xs[pl.ds(off, 16)]
                yc = ys[pl.ds(off, 16)]
                zc = zs[pl.ds(off, 16)]
                cbc = cb[pl.ds(off, 16)]
                for k in range(16):
                    d = cbc[k] - (qx2 * xc[k] + qy2 * yc[k] + qz2 * zc[k])
                    iv = jnp.full((16,), off + k, jnp.int32)
                    c1 = d < m1
                    c2 = d < m2
                    c3 = d < m3
                    m3 = jnp.where(c2, m2, jnp.where(c3, d, m3))
                    i3 = jnp.where(c2, i2, jnp.where(c3, iv, i3))
                    m2 = jnp.where(c1, m1, jnp.where(c2, d, m2))
                    i2 = jnp.where(c1, i1, jnp.where(c2, iv, i2))
                    m1 = jnp.where(c1, d, m1)
                    i1 = jnp.where(c1, iv, i1)
                return m1, m2, m3, i1, i2, i3

            init = (jnp.full((16,), _INF, jnp.float32),
                    jnp.full((16,), _INF, jnp.float32),
                    jnp.full((16,), _INF, jnp.float32),
                    jnp.zeros((16,), jnp.int32), jnp.zeros((16,), jnp.int32),
                    jnp.zeros((16,), jnp.int32))
            m1, m2, m3, i1, i2, i3 = lax.fori_loop(0, CH, per_chunk, init)

            s = g * 16
            j1v[pl.ds(s, 16)] = i1.astype(jnp.float32)
            j2v[pl.ds(s, 16)] = i2.astype(jnp.float32)
            j3v[pl.ds(s, 16)] = i3.astype(jnp.float32)
            return carry

        lax.fori_loop(0, QW // 16, per_group, 0)

        pltpu.sync_copy(j1v, oj1.at[pl.ds(base, QW)])
        pltpu.sync_copy(j2v, oj2.at[pl.ds(base, QW)])
        pltpu.sync_copy(j3v, oj3.at[pl.ds(base, QW)])

    return knn



def _tc_epi_body(j1_ref, j2_ref, j3_ref, anum_ref, c0_ref, c1_ref, c2_ref,
                 pos_full_ref, o0_ref, o1_ref, o2_ref):
    i = pl.program_id(0)
    xr = pos_full_ref[pl.ds(S_TC + i * R, R), :]
    pos_tab = pos_full_ref[...]
    iota = jax.lax.broadcasted_iota(jnp.int32, (R, N), 1).astype(jnp.float32)

    is_heavy = anum_ref[...] != 1
    ja = jnp.where(is_heavy, j2_ref[...], j1_ref[...])
    jb = jnp.where(is_heavy, j3_ref[...], j2_ref[...])
    ga = jnp.dot(jnp.where(iota == ja, 1.0, 0.0), pos_tab,
                 preferred_element_type=jnp.float32)
    gb = jnp.dot(jnp.where(iota == jb, 1.0, 0.0), pos_tab,
                 preferred_element_type=jnp.float32)
    _frames_rotate(ga - xr, gb - xr, c0_ref, c1_ref, c2_ref,
                   o0_ref, o1_ref, o2_ref)


@jax.jit
def kernel(coeffs, pos, atomic_numbers):
    heavy = atomic_numbers != 1
    colbase_row = (jnp.sum(pos * pos, axis=1)
                   + jnp.where(heavy, 0.0, jnp.inf)).astype(jnp.float32)
    colbase = colbase_row[None, :]
    posT2 = (2.0 * pos).T
    anum = atomic_numbers[:, None]
    c0 = coeffs[:, :, 0]
    c1 = coeffs[:, :, 1]
    c2 = coeffs[:, :, 2]

    full = lambda *dims: pl.BlockSpec(dims, lambda i: (0,) * len(dims))
    rows = lambda *dims: pl.BlockSpec((R,) + dims, lambda i: (i,) + (0,) * len(dims))

    j1, j2, j3 = _sc_knn_make()(pos[:, 0], pos[:, 1], pos[:, 2], colbase_row)

    t0, t1, t2 = pl.pallas_call(
        _tc_main_body,
        grid=(S_TC // R,),
        in_specs=[
            full(3, N),
            full(1, N),
            rows(1),
            rows(64), rows(64), rows(64),
            full(N, 3),
        ],
        out_specs=[rows(64), rows(64), rows(64)],
        out_shape=[jax.ShapeDtypeStruct((S_TC, 64), jnp.float32)] * 3,
    )(posT2, colbase, anum[:S_TC], c0[:S_TC], c1[:S_TC], c2[:S_TC], pos)

    e0, e1_, e2_ = pl.pallas_call(
        _tc_epi_body,
        grid=(N_SC // R,),
        in_specs=[rows(1), rows(1), rows(1), rows(1),
                  rows(64), rows(64), rows(64), full(N, 3)],
        out_specs=[rows(64), rows(64), rows(64)],
        out_shape=[jax.ShapeDtypeStruct((N_SC, 64), jnp.float32)] * 3,
    )(j1[:, None], j2[:, None], j3[:, None], anum[S_TC:],
      c0[S_TC:], c1[S_TC:], c2[S_TC:], pos)

    o0 = jnp.concatenate([t0, e0], axis=0)
    o1 = jnp.concatenate([t1, e1_], axis=0)
    o2 = jnp.concatenate([t2, e2_], axis=0)
    return jnp.stack([o0, o1, o2], axis=-1)

# --- scband reference (transcript-rebuilt; emitter-appended) ---
"""Pipeline reference for scband-local-frames-module-59072980189773 (READ-ONLY COPY).

The authoritative reference and input builder live on the scoring server;
editing this copy changes nothing except your own understanding.
"""

import jax, jax.numpy as jnp
import numpy as np

K = 2  # LocalBasisModule default: use_three_atoms_for_basis=False -> k=2


def _local_frames_from_rel_positions(p1, p2):
    # Gram-Schmidt local frame from the two nearest relative positions.
    e1 = p1 / jnp.linalg.norm(p1, axis=-1, keepdims=True)
    proj = jnp.sum(p2 * e1, axis=-1, keepdims=True)
    u2 = p2 - proj * e1
    e2 = u2 / jnp.linalg.norm(u2, axis=-1, keepdims=True)
    e3 = jnp.cross(e1, e2)
    return jnp.stack([e1, e2, e3], axis=1)  # [N, 3, 3], rows are basis vectors


def setup_inputs(seed: int = 0) -> dict:
    key = jax.random.key(seed)
    k1, k2, k3 = jax.random.split(key, 3)
    pos = jax.random.normal(k1, (8192, 3), dtype=jnp.float32) * 5.0
    coeffs = jax.random.normal(k2, (8192, 64, 3), dtype=jnp.float32)
    atomic_numbers = jax.random.randint(k3, (8192,), 0, 10, dtype=jnp.int32)
    return {"coeffs": coeffs, "pos": pos, "atomic_numbers": atomic_numbers}


def reference(coeffs, pos, atomic_numbers):
    # ignore_hydrogen=True path of LocalBasisModule.forward (no dummy atoms needed,
    # since the number of heavy atoms >> k).
    heavy_mask = atomic_numbers != 1
    # cdist(pos, pos) ; squared distances give the identical argsort ordering.
    # Hydrogen columns are masked to +inf so the stable argsort places all heavy
    # atoms first, in the same distance order (ties break by ascending atom index).
    d2_full = (jnp.sum(pos * pos, axis=1)[:, None]
               + jnp.sum(pos * pos, axis=1)[None, :]
               - 2.0 * pos @ pos.T)
    d2 = jnp.where(heavy_mask[None, :], d2_full, jnp.inf)
    dist_order = jnp.argsort(d2, axis=1)  # [N, N], heavy-atom indices sorted by distance lead
    # heavy atoms: skip self (column 0), take columns 1:k+1 ; hydrogens: take columns 0:k
    neigh = jnp.where(heavy_mask[:, None], dist_order[:, 1:K + 1], dist_order[:, :K])  # [N, 2]
    # message: pos_j - pos_i ; aggregate: order by length and build local frames
    rel = jnp.take(pos, neigh, axis=0) - pos[:, None, :]  # [N, 2, 3]
    length = jnp.linalg.norm(rel, axis=-1)
    diff = length[:, 0] - length[:, 1]
    p1 = jnp.where(diff[:, None] <= 0, rel[:, 0], rel[:, 1])
    p2 = jnp.where(diff[:, None] <= 0, rel[:, 1], rel[:, 0])
    basis = _local_frames_from_rel_positions(p1, p2)  # [N, 3, 3]
    # transform_coeffs_to_local for l=1 (vector) irreps: rotate each coefficient
    # vector of every atom into its local frame.
    out = jnp.einsum('nij,ncj->nci', basis, coeffs)  # [N, 64, 3]
    return out

if __name__ == "__main__":
    import jax
    _d = setup_inputs()
    print(jax.jit(kernel)(*tuple(_d.values())))

</pallas_src>

<mosaic_0001>
#map = affine_map<(d0, d1) -> (0)>
module attributes {stable_mosaic.version = 14 : i64} {
  func.func @knn(%arg0: i32, %arg1: i32, %arg2: memref<8192xf32, #tpu.memory_space<hbm>>, %arg3: memref<8192xf32, #tpu.memory_space<hbm>>, %arg4: memref<8192xf32, #tpu.memory_space<hbm>>, %arg5: memref<8192xf32, #tpu.memory_space<hbm>>, %arg6: memref<2560xf32, #tpu.memory_space<hbm>>, %arg7: memref<2560xf32, #tpu.memory_space<hbm>>, %arg8: memref<2560xf32, #tpu.memory_space<hbm>>, %arg9: memref<8192xf32, #tpu.memory_space<vmem>>, %arg10: memref<8192xf32, #tpu.memory_space<vmem>>, %arg11: memref<8192xf32, #tpu.memory_space<vmem>>, %arg12: memref<8192xf32, #tpu.memory_space<vmem>>, %arg13: memref<80xf32, #tpu.memory_space<vmem>>, %arg14: memref<80xf32, #tpu.memory_space<vmem>>, %arg15: memref<80xf32, #tpu.memory_space<vmem>>) attributes {dimension_semantics = [#tpu.dimension_semantics<core_parallel>, #tpu.dimension_semantics<subcore_parallel>], iteration_bounds = array<i64: 2, 16>, scalar_prefetch = 0 : i64, scratch_operands = 7 : i64, tpu.core_type = #tpu.core_type<sc_vector_subcore>, window_params = [{transform_indices = #map}, {transform_indices = #map}, {transform_indices = #map}, {transform_indices = #map}, {transform_indices = #map}, {transform_indices = #map}, {transform_indices = #map}]} {
    %mul3A = arith.constant 2 : i32
    %mul3A_0 = arith.muli %arg1, %mul3A : i32
    %add3A = arith.addi %mul3A_0, %arg0 : i32
    %mul3A_1 = arith.constant 80 : i32
    %mul3A_2 = arith.muli %add3A, %mul3A_1 : i32
    "tpu.region"() ({
      %run_scoped3A = tpu.sem_alloc : memref<!tpu.dma_semaphore, #tpu.memory_space<semaphore_mem>>
      tpu.enqueue_dma source(%arg2 : memref<8192xf32, #tpu.memory_space<hbm>>) target(%arg9 : memref<8192xf32, #tpu.memory_space<vmem>>) target_semaphore(%run_scoped3A : memref<!tpu.dma_semaphore, #tpu.memory_space<semaphore_mem>>)
      tpu.wait_dma2 semaphore(%run_scoped3A : memref<!tpu.dma_semaphore, #tpu.memory_space<semaphore_mem>>) src(%arg2 : memref<8192xf32, #tpu.memory_space<hbm>>) dst(%arg9 : memref<8192xf32, #tpu.memory_space<vmem>>)
      tpu.yield
    }) : () -> ()
    "tpu.region"() ({
      %run_scoped3A = tpu.sem_alloc : memref<!tpu.dma_semaphore, #tpu.memory_space<semaphore_mem>>
      tpu.enqueue_dma source(%arg3 : memref<8192xf32, #tpu.memory_space<hbm>>) target(%arg10 : memref<8192xf32, #tpu.memory_space<vmem>>) target_semaphore(%run_scoped3A : memref<!tpu.dma_semaphore, #tpu.memory_space<semaphore_mem>>)
      tpu.wait_dma2 semaphore(%run_scoped3A : memref<!tpu.dma_semaphore, #tpu.memory_space<semaphore_mem>>) src(%arg3 : memref<8192xf32, #tpu.memory_space<hbm>>) dst(%arg10 : memref<8192xf32, #tpu.memory_space<vmem>>)
      tpu.yield
    }) : () -> ()
    "tpu.region"() ({
      %run_scoped3A = tpu.sem_alloc : memref<!tpu.dma_semaphore, #tpu.memory_space<semaphore_mem>>
      tpu.enqueue_dma source(%arg4 : memref<8192xf32, #tpu.memory_space<hbm>>) target(%arg11 : memref<8192xf32, #tpu.memory_space<vmem>>) target_semaphore(%run_scoped3A : memref<!tpu.dma_semaphore, #tpu.memory_space<semaphore_mem>>)
      tpu.wait_dma2 semaphore(%run_scoped3A : memref<!tpu.dma_semaphore, #tpu.memory_space<semaphore_mem>>) src(%arg4 : memref<8192xf32, #tpu.memory_space<hbm>>) dst(%arg11 : memref<8192xf32, #tpu.memory_space<vmem>>)
      tpu.yield
    }) : () -> ()
    "tpu.region"() ({
      %run_scoped3A = tpu.sem_alloc : memref<!tpu.dma_semaphore, #tpu.memory_space<semaphore_mem>>
      tpu.enqueue_dma source(%arg5 : memref<8192xf32, #tpu.memory_space<hbm>>) target(%arg12 : memref<8192xf32, #tpu.memory_space<vmem>>) target_semaphore(%run_scoped3A : memref<!tpu.dma_semaphore, #tpu.memory_space<semaphore_mem>>)
      tpu.wait_dma2 semaphore(%run_scoped3A : memref<!tpu.dma_semaphore, #tpu.memory_space<semaphore_mem>>) src(%arg5 : memref<8192xf32, #tpu.memory_space<hbm>>) dst(%arg12 : memref<8192xf32, #tpu.memory_space<vmem>>)
      tpu.yield
    }) : () -> ()
    %scan3A = arith.constant 0 : i32
    %scan3A_3 = arith.constant 0 : i32
    %scan3A_4 = arith.constant 5 : i32
    %scan3A_5 = arith.addi %scan3A_3, %scan3A_4 : i32
    %scan3A_6 = arith.constant 1 : i32
    scf.for %scan3A_8 = %scan3A_3 to %scan3A_5 step %scan3A_6  : i32 {
      %add3A_9 = arith.constant 5632 : i32
      %add3A_10 = arith.addi %add3A_9, %mul3A_2 : i32
      %mul3A_11 = arith.constant 16 : i32
      %mul3A_12 = arith.muli %scan3A_8, %mul3A_11 : i32
      %add3A_13 = arith.addi %add3A_10, %mul3A_12 : i32
      %get3A = arith.index_cast %add3A_13 : i32 to index
      %get3A_14 = tpu.vector_load %arg9[%get3A] {strides = array<i32>} : memref<8192xf32, #tpu.memory_space<vmem>>, vector<16xf32>,
      %get3A_15 = vector.shape_cast %get3A_14 : vector<16xf32> to vector<16xf32>
      %get3A_16 = arith.index_cast %add3A_13 : i32 to index
      %get3A_17 = tpu.vector_load %arg10[%get3A_16] {strides = array<i32>} : memref<8192xf32, #tpu.memory_space<vmem>>, vector<16xf32>,
      %get3A_18 = vector.shape_cast %get3A_17 : vector<16xf32> to vector<16xf32>
      %get3A_19 = arith.index_cast %add3A_13 : i32 to index
      %get3A_20 = tpu.vector_load %arg11[%get3A_19] {strides = array<i32>} : memref<8192xf32, #tpu.memory_space<vmem>>, vector<16xf32>,
      %get3A_21 = vector.shape_cast %get3A_20 : vector<16xf32> to vector<16xf32>
      %add3A_22 = arith.addf %get3A_15, %get3A_15 : vector<16xf32>
      %add3A_23 = arith.addf %get3A_18, %get3A_18 : vector<16xf32>
      %add3A_24 = arith.addf %get3A_21, %get3A_21 : vector<16xf32>
      %broadcast_in_dim3A = arith.constant 0x7F800000 : f32
      %broadcast_in_dim3A_25 = vector.broadcast %broadcast_in_dim3A : f32 to vector<16xf32>
      %broadcast_in_dim3A_26 = arith.constant 0x7F800000 : f32
      %broadcast_in_dim3A_27 = vector.broadcast %broadcast_in_dim3A_26 : f32 to vector<16xf32>
      %broadcast_in_dim3A_28 = arith.constant 0x7F800000 : f32
      %broadcast_in_dim3A_29 = vector.broadcast %broadcast_in_dim3A_28 : f32 to vector<16xf32>
      %broadcast_in_dim3A_30 = arith.constant 0 : i32
      %broadcast_in_dim3A_31 = vector.broadcast %broadcast_in_dim3A_30 : i32 to vector<16xi32>
      %broadcast_in_dim3A_32 = arith.constant 0 : i32
      %broadcast_in_dim3A_33 = vector.broadcast %broadcast_in_dim3A_32 : i32 to vector<16xi32>
      %broadcast_in_dim3A_34 = arith.constant 0 : i32
      %broadcast_in_dim3A_35 = vector.broadcast %broadcast_in_dim3A_34 : i32 to vector<16xi32>
      %scan3A_36 = arith.constant 0 : i32
      %scan3A_37 = arith.constant 512 : i32
      %scan3A_38 = arith.addi %scan3A_36, %scan3A_37 : i32
      %scan3A_39 = arith.constant 1 : i32
      %scan3A_40:6 = scf.for %scan3A_57 = %scan3A_36 to %scan3A_38 step %scan3A_39 iter_args(%scan3A_58 = %broadcast_in_dim3A_25, %scan3A_59 = %broadcast_in_dim3A_27, %scan3A_60 = %broadcast_in_dim3A_29, %scan3A_61 = %broadcast_in_dim3A_31, %scan3A_62 = %broadcast_in_dim3A_33, %scan3A_63 = %broadcast_in_dim3A_35) -> (vector<16xf32>, vector<16xf32>, vector<16xf32>, vector<16xi32>, vector<16xi32>, vector<16xi32>)  : i32 {
        %mul3A_64 = arith.constant 16 : i32
        %mul3A_65 = arith.muli %scan3A_57, %mul3A_64 : i32
        %get3A_66 = arith.index_cast %mul3A_65 : i32 to index
        %get3A_67 = tpu.vector_load %arg9[%get3A_66] {strides = array<i32>} : memref<8192xf32, #tpu.memory_space<vmem>>, vector<16xf32>,
        %get3A_68 = vector.shape_cast %get3A_67 : vector<16xf32> to vector<16xf32>
        %get3A_69 = arith.index_cast %mul3A_65 : i32 to index
        %get3A_70 = tpu.vector_load %arg10[%get3A_69] {strides = array<i32>} : memref<8192xf32, #tpu.memory_space<vmem>>, vector<16xf32>,
        %get3A_71 = vector.shape_cast %get3A_70 : vector<16xf32> to vector<16xf32>
        %get3A_72 = arith.index_cast %mul3A_65 : i32 to index
        %get3A_73 = tpu.vector_load %arg11[%get3A_72] {strides = array<i32>} : memref<8192xf32, #tpu.memory_space<vmem>>, vector<16xf32>,
        %get3A_74 = vector.shape_cast %get3A_73 : vector<16xf32> to vector<16xf32>
        %get3A_75 = arith.index_cast %mul3A_65 : i32 to index
        %get3A_76 = tpu.vector_load %arg12[%get3A_75] {strides = array<i32>} : memref<8192xf32, #tpu.memory_space<vmem>>, vector<16xf32>,
        %get3A_77 = vector.shape_cast %get3A_76 : vector<16xf32> to vector<16xf32>
        %slice3A = vector.extract_strided_slice %get3A_77 {offsets = [0], sizes = [1], strides = [1]} : vector<16xf32> to vector<1xf32>
        %squeeze3A = vector.extract %slice3A[0] : f32 from vector<1xf32>
        %slice3A_78 = vector.extract_strided_slice %get3A_68 {offsets = [0], sizes = [1], strides = [1]} : vector<16xf32> to vector<1xf32>
        %squeeze3A_79 = vector.extract %slice3A_78[0] : f32 from vector<1xf32>
        %mul3A_80 = vector.broadcast %squeeze3A_79 : f32 to vector<16xf32>
        %mul3A_81 = arith.mulf %add3A_22, %mul3A_80 : vector<16xf32>
        %slice3A_82 = vector.extract_strided_slice %get3A_71 {offsets = [0], sizes = [1], strides = [1]} : vector<16xf32> to vector<1xf32>
        %squeeze3A_83 = vector.extract %slice3A_82[0] : f32 from vector<1xf32>
        %mul3A_84 = vector.broadcast %squeeze3A_83 : f32 to vector<16xf32>
        %mul3A_85 = arith.mulf %add3A_23, %mul3A_84 : vector<16xf32>
        %add3A_86 = arith.addf %mul3A_81, %mul3A_85 : vector<16xf32>
        %slice3A_87 = vector.extract_strided_slice %get3A_74 {offsets = [0], sizes = [1], strides = [1]} : vector<16xf32> to vector<1xf32>
        %squeeze3A_88 = vector.extract %slice3A_87[0] : f32 from vector<1xf32>
        %mul3A_89 = vector.broadcast %squeeze3A_88 : f32 to vector<16xf32>
        %mul3A_90 = arith.mulf %add3A_24, %mul3A_89 : vector<16xf32>
        %add3A_91 = arith.addf %add3A_86, %mul3A_90 : vector<16xf32>
        %sub3A = vector.broadcast %squeeze3A : f32 to vector<16xf32>
        %sub3A_92 = arith.subf %sub3A, %add3A_91 : vector<16xf32>
        %add3A_93 = arith.constant 0 : i32
        %add3A_94 = arith.addi %mul3A_65, %add3A_93 : i32
        %broadcast_in_dim3A_95 = vector.broadcast %add3A_94 : i32 to vector<16xi32>
        %lt3A = arith.cmpf olt, %sub3A_92, %scan3A_58 : vector<16xf32>
        %lt3A_96 = arith.cmpf olt, %sub3A_92, %scan3A_59 : vector<16xf32>
        %lt3A_97 = arith.cmpf olt, %sub3A_92, %scan3A_60 : vector<16xf32>
        %select_n3A = arith.select %lt3A_97, %sub3A_92, %scan3A_60 : vector<16xi1>, vector<16xf32>
        %select_n3A_98 = arith.select %lt3A_96, %scan3A_59, %select_n3A : vector<16xi1>, vector<16xf32>
        %select_n3A_99 = arith.select %lt3A_97, %broadcast_in_dim3A_95, %scan3A_63 : vector<16xi1>, vector<16xi32>
        %select_n3A_100 = arith.select %lt3A_96, %scan3A_62, %select_n3A_99 : vector<16xi1>, vector<16xi32>
        %select_n3A_101 = arith.select %lt3A_96, %sub3A_92, %scan3A_59 : vector<16xi1>, vector<16xf32>
        %select_n3A_102 = arith.select %lt3A, %scan3A_58, %select_n3A_101 : vector<16xi1>, vector<16xf32>
        %select_n3A_103 = arith.select %lt3A_96, %broadcast_in_dim3A_95, %scan3A_62 : vector<16xi1>, vector<16xi32>
        %select_n3A_104 = arith.select %lt3A, %scan3A_61, %select_n3A_103 : vector<16xi1>, vector<16xi32>
        %select_n3A_105 = arith.select %lt3A, %sub3A_92, %scan3A_58 : vector<16xi1>, vector<16xf32>
        %select_n3A_106 = arith.select %lt3A, %broadcast_in_dim3A_95, %scan3A_61 : vector<16xi1>, vector<16xi32>
        %slice3A_107 = vector.extract_strided_slice %get3A_77 {offsets = [1], sizes = [1], strides = [1]} : vector<16xf32> to vector<1xf32>
        %squeeze3A_108 = vector.extract %slice3A_107[0] : f32 from vector<1xf32>
        %slice3A_109 = vector.extract_strided_slice %get3A_68 {offsets = [1], sizes = [1], strides = [1]} : vector<16xf32> to vector<1xf32>
        %squeeze3A_110 = vector.extract %slice3A_109[0] : f32 from vector<1xf32>
        %mul3A_111 = vector.broadcast %squeeze3A_110 : f32 to vector<16xf32>
        %mul3A_112 = arith.mulf %add3A_22, %mul3A_111 : vector<16xf32>
        %slice3A_113 = vector.extract_strided_slice %get3A_71 {offsets = [1], sizes = [1], strides = [1]} : vector<16xf32> to vector<1xf32>
        %squeeze3A_114 = vector.extract %slice3A_113[0] : f32 from vector<1xf32>
        %mul3A_115 = vector.broadcast %squeeze3A_114 : f32 to vector<16xf32>
        %mul3A_116 = arith.mulf %add3A_23, %mul3A_115 : vector<16xf32>
        %add3A_117 = arith.addf %mul3A_112, %mul3A_116 : vector<16xf32>
        %slice3A_118 = vector.extract_strided_slice %get3A_74 {offsets = [1], sizes = [1], strides = [1]} : vector<16xf32> to vector<1xf32>
        %squeeze3A_119 = vector.extract %slice3A_118[0] : f32 from vector<1xf32>
        %mul3A_120 = vector.broadcast %squeeze3A_119 : f32 to vector<16xf32>
        %mul3A_121 = arith.mulf %add3A_24, %mul3A_120 : vector<16xf32>
        %add3A_122 = arith.addf %add3A_117, %mul3A_121 : vector<16xf32>
        %sub3A_123 = vector.broadcast %squeeze3A_108 : f32 to vector<16xf32>
        %sub3A_124 = arith.subf %sub3A_123, %add3A_122 : vector<16xf32>
        %add3A_125 = arith.constant 1 : i32
        %add3A_126 = arith.addi %mul3A_65, %add3A_125 : i32
        %broadcast_in_dim3A_127 = vector.broadcast %add3A_126 : i32 to vector<16xi32>
        %lt3A_128 = arith.cmpf olt, %sub3A_124, %select_n3A_105 : vector<16xf32>
        %lt3A_129 = arith.cmpf olt, %sub3A_124, %select_n3A_102 : vector<16xf32>
        %lt3A_130 = arith.cmpf olt, %sub3A_124, %select_n3A_98 : vector<16xf32>
        %select_n3A_131 = arith.select %lt3A_130, %sub3A_124, %select_n3A_98 : vector<16xi1>, vector<16xf32>
        %select_n3A_132 = arith.select %lt3A_129, %select_n3A_102, %select_n3A_131 : vector<16xi1>, vector<16xf32>
        %select_n3A_133 = arith.select %lt3A_130, %broadcast_in_dim3A_127, %select_n3A_100 : vector<16xi1>, vector<16xi32>
        %select_n3A_134 = arith.select %lt3A_129, %select_n3A_104, %select_n3A_133 : vector<16xi1>, vector<16xi32>
        %select_n3A_135 = arith.select %lt3A_129, %sub3A_124, %select_n3A_102 : vector<16xi1>, vector<16xf32>
        %select_n3A_136 = arith.select %lt3A_128, %select_n3A_105, %select_n3A_135 : vector<16xi1>, vector<16xf32>
        %select_n3A_137 = arith.select %lt3A_129, %broadcast_in_dim3A_127, %select_n3A_104 : vector<16xi1>, vector<16xi32>
        %select_n3A_138 = arith.select %lt3A_128, %select_n3A_106, %select_n3A_137 : vector<16xi1>, vector<16xi32>
        %select_n3A_139 = arith.select %lt3A_128, %sub3A_124, %select_n3A_105 : vector<16xi1>, vector<16xf32>
        %select_n3A_140 = arith.select %lt3A_128, %broadcast_in_dim3A_127, %select_n3A_106 : vector<16xi1>, vector<16xi32>
        %slice3A_141 = vector.extract_strided_slice %get3A_77 {offsets = [2], sizes = [1], strides = [1]} : vector<16xf32> to vector<1xf32>
        %squeeze3A_142 = vector.extract %slice3A_141[0] : f32 from vector<1xf32>
        %slice3A_143 = vector.extract_strided_slice %get3A_68 {offsets = [2], sizes = [1], strides = [1]} : vector<16xf32> to vector<1xf32>
        %squeeze3A_144 = vector.extract %slice3A_143[0] : f32 from vector<1xf32>
        %mul3A_145 = vector.broadcast %squeeze3A_144 : f32 to vector<16xf32>
        %mul3A_146 = arith.mulf %add3A_22, %mul3A_145 : vector<16xf32>
        %slice3A_147 = vector.extract_strided_slice %get3A_71 {offsets = [2], sizes = [1], strides = [1]} : vector<16xf32> to vector<1xf32>
        %squeeze3A_148 = vector.extract %slice3A_147[0] : f32 from vector<1xf32>
        %mul3A_149 = vector.broadcast %squeeze3A_148 : f32 to vector<16xf32>
        %mul3A_150 = arith.mulf %add3A_23, %mul3A_149 : vector<16xf32>
        %add3A_151 = arith.addf %mul3A_146, %mul3A_150 : vector<16xf32>
        %slice3A_152 = vector.extract_strided_slice %get3A_74 {offsets = [2], sizes = [1], strides = [1]} : vector<16xf32> to vector<1xf32>
        %squeeze3A_153 = vector.extract %slice3A_152[0] : f32 from vector<1xf32>
        %mul3A_154 = vector.broadcast %squeeze3A_153 : f32 to vector<16xf32>
        %mul3A_155 = arith.mulf %add3A_24, %mul3A_154 : vector<16xf32>
        %add3A_156 = arith.addf %add3A_151, %mul3A_155 : vector<16xf32>
        %sub3A_157 = vector.broadcast %squeeze3A_142 : f32 to vector<16xf32>
        %sub3A_158 = arith.subf %sub3A_157, %add3A_156 : vector<16xf32>
        %add3A_159 = arith.constant 2 : i32
        %add3A_160 = arith.addi %mul3A_65, %add3A_159 : i32
        %broadcast_in_dim3A_161 = vector.broadcast %add3A_160 : i32 to vector<16xi32>
        %lt3A_162 = arith.cmpf olt, %sub3A_158, %select_n3A_139 : vector<16xf32>
        %lt3A_163 = arith.cmpf olt, %sub3A_158, %select_n3A_136 : vector<16xf32>
        %lt3A_164 = arith.cmpf olt, %sub3A_158, %select_n3A_132 : vector<16xf32>
        %select_n3A_165 = arith.select %lt3A_164, %sub3A_158, %select_n3A_132 : vector<16xi1>, vector<16xf32>
        %select_n3A_166 = arith.select %lt3A_163, %select_n3A_136, %select_n3A_165 : vector<16xi1>, vector<16xf32>
        %select_n3A_167 = arith.select %lt3A_164, %broadcast_in_dim3A_161, %select_n3A_134 : vector<16xi1>, vector<16xi32>
        %select_n3A_168 = arith.select %lt3A_163, %select_n3A_138, %select_n3A_167 : vector<16xi1>, vector<16xi32>
        %select_n3A_169 = arith.select %lt3A_163, %sub3A_158, %select_n3A_136 : vector<16xi1>, vector<16xf32>
        %select_n3A_170 = arith.select %lt3A_162, %select_n3A_139, %select_n3A_169 : vector<16xi1>, vector<16xf32>
        %select_n3A_171 = arith.select %lt3A_163, %broadcast_in_dim3A_161, %select_n3A_138 : vector<16xi1>, vector<16xi32>
        %select_n3A_172 = arith.select %lt3A_162, %select_n3A_140, %select_n3A_171 : vector<16xi1>, vector<16xi32>
        %select_n3A_173 = arith.select %lt3A_162, %sub3A_158, %select_n3A_139 : vector<16xi1>, vector<16xf32>
        %select_n3A_174 = arith.select %lt3A_162, %broadcast_in_dim3A_161, %select_n3A_140 : vector<16xi1>, vector<16xi32>
        %slice3A_175 = vector.extract_strided_slice %get3A_77 {offsets = [3], sizes = [1], strides = [1]} : vector<16xf32> to vector<1xf32>
        %squeeze3A_176 = vector.extract %slice3A_175[0] : f32 from vector<1xf32>
        %slice3A_177 = vector.extract_strided_slice %get3A_68 {offsets = [3], sizes = [1], strides = [1]} : vector<16xf32> to vector<1xf32>
        %squeeze3A_178 = vector.extract %slice3A_177[0] : f32 from vector<1xf32>
        %mul3A_179 = vector.broadcast %squeeze3A_178 : f32 to vector<16xf32>
        %mul3A_180 = arith.mulf %add3A_22, %mul3A_179 : vector<16xf32>
        %slice3A_181 = vector.extract_strided_slice %get3A_71 {offsets = [3], sizes = [1], strides = [1]} : vector<16xf32> to vector<1xf32>
        %squeeze3A_182 = vector.extract %slice3A_181[0] : f32 from vector<1xf32>
        %mul3A_183 = vector.broadcast %squeeze3A_182 : f32 to vector<16xf32>
        %mul3A_184 = arith.mulf %add3A_23, %mul3A_183 : vector<16xf32>
        %add3A_185 = arith.addf %mul3A_180, %mul3A_184 : vector<16xf32>
        %slice3A_186 = vector.extract_strided_slice %get3A_74 {offsets = [3], sizes = [1], strides = [1]} : vector<16xf32> to vector<1xf32>
        %squeeze3A_187 = vector.extract %slice3A_186[0] : f32 from vector<1xf32>
        %mul3A_188 = vector.broadcast %squeeze3A_187 : f32 to vector<16xf32>
        %mul3A_189 = arith.mulf %add3A_24, %mul3A_188 : vector<16xf32>
        %add3A_190 = arith.addf %add3A_185, %mul3A_189 : vector<16xf32>
        %sub3A_191 = vector.broadcast %squeeze3A_176 : f32 to vector<16xf32>
        %sub3A_192 = arith.subf %sub3A_191, %add3A_190 : vector<16xf32>
        %add3A_193 = arith.constant 3 : i32
        %add3A_194 = arith.addi %mul3A_65, %add3A_193 : i32
        %broadcast_in_dim3A_195 = vector.broadcast %add3A_194 : i32 to vector<16xi32>
        %lt3A_196 = arith.cmpf olt, %sub3A_192, %select_n3A_173 : vector<16xf32>
        %lt3A_197 = arith.cmpf olt, %sub3A_192, %select_n3A_170 : vector<16xf32>
        %lt3A_198 = arith.cmpf olt, %sub3A_192, %select_n3A_166 : vector<16xf32>
        %select_n3A_199 = arith.select %lt3A_198, %sub3A_192, %select_n3A_166 : vector<16xi1>, vector<16xf32>
        %select_n3A_200 = arith.select %lt3A_197, %select_n3A_170, %select_n3A_199 : vector<16xi1>, vector<16xf32>
        %select_n3A_201 = arith.select %lt3A_198, %broadcast_in_dim3A_195, %select_n3A_168 : vector<16xi1>, vector<16xi32>
        %select_n3A_202 = arith.select %lt3A_197, %select_n3A_172, %select_n3A_201 : vector<16xi1>, vector<16xi32>
        %select_n3A_203 = arith.select %lt3A_197, %sub3A_192, %select_n3A_170 : vector<16xi1>, vector<16xf32>
        %select_n3A_204 = arith.select %lt3A_196, %select_n3A_173, %select_n3A_203 : vector<16xi1>, vector<16xf32>
        %select_n3A_205 = arith.select %lt3A_197, %broadcast_in_dim3A_195, %select_n3A_172 : vector<16xi1>, vector<16xi32>
        %select_n3A_206 = arith.select %lt3A_196, %select_n3A_174, %select_n3A_205 : vector<16xi1>, vector<16xi32>
        %select_n3A_207 = arith.select %lt3A_196, %sub3A_192, %select_n3A_173 : vector<16xi1>, vector<16xf32>
        %select_n3A_208 = arith.select %lt3A_196, %broadcast_in_dim3A_195, %select_n3A_174 : vector<16xi1>, vector<16xi32>
        %slice3A_209 = vector.extract_strided_slice %get3A_77 {offsets = [4], sizes = [1], strides = [1]} : vector<16xf32> to vector<1xf32>
        %squeeze3A_210 = vector.extract %slice3A_209[0] : f32 from vector<1xf32>
        %slice3A_211 = vector.extract_strided_slice %get3A_68 {offsets = [4], sizes = [1], strides = [1]} : vector<16xf32> to vector<1xf32>
        %squeeze3A_212 = vector.extract %slice3A_211[0] : f32 from vector<1xf32>
        %mul3A_213 = vector.broadcast %squeeze3A_212 : f32 to vector<16xf32>
        %mul3A_214 = arith.mulf %add3A_22, %mul3A_213 : vector<16xf32>
        %slice3A_215 = vector.extract_strided_slice %get3A_71 {offsets = [4], sizes = [1], strides = [1]} : vector<16xf32> to vector<1xf32>
        %squeeze3A_216 = vector.extract %slice3A_215[0] : f32 from vector<1xf32>
        %mul3A_217 = vector.broadcast %squeeze3A_216 : f32 to vector<16xf32>
        %mul3A_218 = arith.mulf %add3A_23, %mul3A_217 : vector<16xf32>
        %add3A_219 = arith.addf %mul3A_214, %mul3A_218 : vector<16xf32>
        %slice3A_220 = vector.extract_strided_slice %get3A_74 {offsets = [4], sizes = [1], strides = [1]} : vector<16xf32> to vector<1xf32>
        %squeeze3A_221 = vector.extract %slice3A_220[0] : f32 from vector<1xf32>
        %mul3A_222 = vector.broadcast %squeeze3A_221 : f32 to vector<16xf32>
        %mul3A_223 = arith.mulf %add3A_24, %mul3A_222 : vector<16xf32>
        %add3A_224 = arith.addf %add3A_219, %mul3A_223 : vector<16xf32>
        %sub3A_225 = vector.broadcast %squeeze3A_210 : f32 to vector<16xf32>
        %sub3A_226 = arith.subf %sub3A_225, %add3A_224 : vector<16xf32>
        %add3A_227 = arith.constant 4 : i32
        %add3A_228 = arith.addi %mul3A_65, %add3A_227 : i32
        %broadcast_in_dim3A_229 = vector.broadcast %add3A_228 : i32 to vector<16xi32>
        %lt3A_230 = arith.cmpf olt, %sub3A_226, %select_n3A_207 : vector<16xf32>
        %lt3A_231 = arith.cmpf olt, %sub3A_226, %select_n3A_204 : vector<16xf32>
        %lt3A_232 = arith.cmpf olt, %sub3A_226, %select_n3A_200 : vector<16xf32>
        %select_n3A_233 = arith.select %lt3A_232, %sub3A_226, %select_n3A_200 : vector<16xi1>, vector<16xf32>
        %select_n3A_234 = arith.select %lt3A_231, %select_n3A_204, %select_n3A_233 : vector<16xi1>, vector<16xf32>
        %select_n3A_235 = arith.select %lt3A_232, %broadcast_in_dim3A_229, %select_n3A_202 : vector<16xi1>, vector<16xi32>
        %select_n3A_236 = arith.select %lt3A_231, %select_n3A_206, %select_n3A_235 : vector<16xi1>, vector<16xi32>
        %select_n3A_237 = arith.select %lt3A_231, %sub3A_226, %select_n3A_204 : vector<16xi1>, vector<16xf32>
        %select_n3A_238 = arith.select %lt3A_230, %select_n3A_207, %select_n3A_237 : vector<16xi1>, vector<16xf32>
        %select_n3A_239 = arith.select %lt3A_231, %broadcast_in_dim3A_229, %select_n3A_206 : vector<16xi1>, vector<16xi32>
        %select_n3A_240 = arith.select %lt3A_230, %select_n3A_208, %select_n3A_239 : vector<16xi1>, vector<16xi32>
        %select_n3A_241 = arith.select %lt3A_230, %sub3A_226, %select_n3A_207 : vector<16xi1>, vector<16xf32>
        %select_n3A_242 = arith.select %lt3A_230, %broadcast_in_dim3A_229, %select_n3A_208 : vector<16xi1>, vector<16xi32>
        %slice3A_243 = vector.extract_strided_slice %get3A_77 {offsets = [5], sizes = [1], strides = [1]} : vector<16xf32> to vector<1xf32>
        %squeeze3A_244 = vector.extract %slice3A_243[0] : f32 from vector<1xf32>
        %slice3A_245 = vector.extract_strided_slice %get3A_68 {offsets = [5], sizes = [1], strides = [1]} : vector<16xf32> to vector<1xf32>
        %squeeze3A_246 = vector.extract %slice3A_245[0] : f32 from vector<1xf32>
        %mul3A_247 = vector.broadcast %squeeze3A_246 : f32 to vector<16xf32>
        %mul3A_248 = arith.mulf %add3A_22, %mul3A_247 : vector<16xf32>
        %slice3A_249 = vector.extract_strided_slice %get3A_71 {offsets = [5], sizes = [1], strides = [1]} : vector<16xf32> to vector<1xf32>
        %squeeze3A_250 = vector.extract %slice3A_249[0] : f32 from vector<1xf32>
        %mul3A_251 = vector.broadcast %squeeze3A_250 : f32 to vector<16xf32>
        %mul3A_252 = arith.mulf %add3A_23, %mul3A_251 : vector<16xf32>
        %add3A_253 = arith.addf %mul3A_248, %mul3A_252 : vector<16xf32>
        %slice3A_254 = vector.extract_strided_slice %get3A_74 {offsets = [5], sizes = [1], strides = [1]} : vector<16xf32> to vector<1xf32>
        %squeeze3A_255 = vector.extract %slice3A_254[0] : f32 from vector<1xf32>
        %mul3A_256 = vector.broadcast %squeeze3A_255 : f32 to vector<16xf32>
        %mul3A_257 = arith.mulf %add3A_24, %mul3A_256 : vector<16xf32>
        %add3A_258 = arith.addf %add3A_253, %mul3A_257 : vector<16xf32>
        %sub3A_259 = vector.broadcast %squeeze3A_244 : f32 to vector<16xf32>
        %sub3A_260 = arith.subf %sub3A_259, %add3A_258 : vector<16xf32>
        %add3A_261 = arith.constant 5 : i32
        %add3A_262 = arith.addi %mul3A_65, %add3A_261 : i32
        %broadcast_in_dim3A_263 = vector.broadcast %add3A_262 : i32 to vector<16xi32>
        %lt3A_264 = arith.cmpf olt, %sub3A_260, %select_n3A_241 : vector<16xf32>
        %lt3A_265 = arith.cmpf olt, %sub3A_260, %select_n3A_238 : vector<16xf32>
        %lt3A_266 = arith.cmpf olt, %sub3A_260, %select_n3A_234 : vector<16xf32>
        %select_n3A_267 = arith.select %lt3A_266, %sub3A_260, %select_n3A_234 : vector<16xi1>, vector<16xf32>
        %select_n3A_268 = arith.select %lt3A_265, %select_n3A_238, %select_n3A_267 : vector<16xi1>, vector<16xf32>
        %select_n3A_269 = arith.select %lt3A_266, %broadcast_in_dim3A_263, %select_n3A_236 : vector<16xi1>, vector<16xi32>
        %select_n3A_270 = arith.select %lt3A_265, %select_n3A_240, %select_n3A_269 : vector<16xi1>, vector<16xi32>
        %select_n3A_271 = arith.select %lt3A_265, %sub3A_260, %select_n3A_238 : vector<16xi1>, vector<16xf32>
        %select_n3A_272 = arith.select %lt3A_264, %select_n3A_241, %select_n3A_271 : vector<16xi1>, vector<16xf32>
        %select_n3A_273 = arith.select %lt3A_265, %broadcast_in_dim3A_263, %select_n3A_240 : vector<16xi1>, vector<16xi32>
        %select_n3A_274 = arith.select %lt3A_264, %select_n3A_242, %select_n3A_273 : vector<16xi1>, vector<16xi32>
        %select_n3A_275 = arith.select %lt3A_264, %sub3A_260, %select_n3A_241 : vector<16xi1>, vector<16xf32>
        %select_n3A_276 = arith.select %lt3A_264, %broadcast_in_dim3A_263, %select_n3A_242 : vector<16xi1>, vector<16xi32>
        %slice3A_277 = vector.extract_strided_slice %get3A_77 {offsets = [6], sizes = [1], strides = [1]} : vector<16xf32> to vector<1xf32>
        %squeeze3A_278 = vector.extract %slice3A_277[0] : f32 from vector<1xf32>
        %slice3A_279 = vector.extract_strided_slice %get3A_68 {offsets = [6], sizes = [1], strides = [1]} : vector<16xf32> to vector<1xf32>
        %squeeze3A_280 = vector.extract %slice3A_279[0] : f32 from vector<1xf32>
        %mul3A_281 = vector.broadcast %squeeze3A_280 : f32 to vector<16xf32>
        %mul3A_282 = arith.mulf %add3A_22, %mul3A_281 : vector<16xf32>
        %slice3A_283 = vector.extract_strided_slice %get3A_71 {offsets = [6], sizes = [1], strides = [1]} : vector<16xf32> to vector<1xf32>
        %squeeze3A_284 = vector.extract %slice3A_283[0] : f32 from vector<1xf32>
        %mul3A_285 = vector.broadcast %squeeze3A_284 : f32 to vector<16xf32>
        %mul3A_286 = arith.mulf %add3A_23, %mul3A_285 : vector<16xf32>
        %add3A_287 = arith.addf %mul3A_282, %mul3A_286 : vector<16xf32>
        %slice3A_288 = vector.extract_strided_slice %get3A_74 {offsets = [6], sizes = [1], strides = [1]} : vector<16xf32> to vector<1xf32>
        %squeeze3A_289 = vector.extract %slice3A_288[0] : f32 from vector<1xf32>
        %mul3A_290 = vector.broadcast %squeeze3A_289 : f32 to vector<16xf32>
        %mul3A_291 = arith.mulf %add3A_24, %mul3A_290 : vector<16xf32>
        %add3A_292 = arith.addf %add3A_287, %mul3A_291 : vector<16xf32>
        %sub3A_293 = vector.broadcast %squeeze3A_278 : f32 to vector<16xf32>
        %sub3A_294 = arith.subf %sub3A_293, %add3A_292 : vector<16xf32>
        %add3A_295 = arith.constant 6 : i32
        %add3A_296 = arith.addi %mul3A_65, %add3A_295 : i32
        %broadcast_in_dim3A_297 = vector.broadcast %add3A_296 : i32 to vector<16xi32>
        %lt3A_298 = arith.cmpf olt, %sub3A_294, %select_n3A_275 : vector<16xf32>
        %lt3A_299 = arith.cmpf olt, %sub3A_294, %select_n3A_272 : vector<16xf32>
        %lt3A_300 = arith.cmpf olt, %sub3A_294, %select_n3A_268 : vector<16xf32>
        %select_n3A_301 = arith.select %lt3A_300, %sub3A_294, %select_n3A_268 : vector<16xi1>, vector<16xf32>
        %select_n3A_302 = arith.select %lt3A_299, %select_n3A_272, %select_n3A_301 : vector<16xi1>, vector<16xf32>
        %select_n3A_303 = arith.select %lt3A_300, %broadcast_in_dim3A_297, %select_n3A_270 : vector<16xi1>, vector<16xi32>
        %select_n3A_304 = arith.select %lt3A_299, %select_n3A_274, %select_n3A_303 : vector<16xi1>, vector<16xi32>
        %select_n3A_305 = arith.select %lt3A_299, %sub3A_294, %select_n3A_272 : vector<16xi1>, vector<16xf32>
        %select_n3A_306 = arith.select %lt3A_298, %select_n3A_275, %select_n3A_305 : vector<16xi1>, vector<16xf32>
        %select_n3A_307 = arith.select %lt3A_299, %broadcast_in_dim3A_297, %select_n3A_274 : vector<16xi1>, vector<16xi32>
        %select_n3A_308 = arith.select %lt3A_298, %select_n3A_276, %select_n3A_307 : vector<16xi1>, vector<16xi32>
        %select_n3A_309 = arith.select %lt3A_298, %sub3A_294, %select_n3A_275 : vector<16xi1>, vector<16xf32>
        %select_n3A_310 = arith.select %lt3A_298, %broadcast_in_dim3A_297, %select_n3A_276 : vector<16xi1>, vector<16xi32>
        %slice3A_311 = vector.extract_strided_slice %get3A_77 {offsets = [7], sizes = [1], strides = [1]} : vector<16xf32> to vector<1xf32>
        %squeeze3A_312 = vector.extract %slice3A_311[0] : f32 from vector<1xf32>
        %slice3A_313 = vector.extract_strided_slice %get3A_68 {offsets = [7], sizes = [1], strides = [1]} : vector<16xf32> to vector<1xf32>
        %squeeze3A_314 = vector.extract %slice3A_313[0] : f32 from vector<1xf32>
        %mul3A_315 = vector.broadcast %squeeze3A_314 : f32 to vector<16xf32>
        %mul3A_316 = arith.mulf %add3A_22, %mul3A_315 : vector<16xf32>
        %slice3A_317 = vector.extract_strided_slice %get3A_71 {offsets = [7], sizes = [1], strides = [1]} : vector<16xf32> to vector<1xf32>
        %squeeze3A_318 = vector.extract %slice3A_317[0] : f32 from vector<1xf32>
        %mul3A_319 = vector.broadcast %squeeze3A_318 : f32 to vector<16xf32>
        %mul3A_320 = arith.mulf %add3A_23, %mul3A_319 : vector<16xf32>
        %add3A_321 = arith.addf %mul3A_316, %mul3A_320 : vector<16xf32>
        %slice3A_322 = vector.extract_strided_slice %get3A_74 {offsets = [7], sizes = [1], strides = [1]} : vector<16xf32> to vector<1xf32>
        %squeeze3A_323 = vector.extract %slice3A_322[0] : f32 from vector<1xf32>
        %mul3A_324 = vector.broadcast %squeeze3A_323 : f32 to vector<16xf32>
        %mul3A_325 = arith.mulf %add3A_24, %mul3A_324 : vector<16xf32>
        %add3A_326 = arith.addf %add3A_321, %mul3A_325 : vector<16xf32>
        %sub3A_327 = vector.broadcast %squeeze3A_312 : f32 to vector<16xf32>
        %sub3A_328 = arith.subf %sub3A_327, %add3A_326 : vector<16xf32>
        %add3A_329 = arith.constant 7 : i32
        %add3A_330 = arith.addi %mul3A_65, %add3A_329 : i32
        %broadcast_in_dim3A_331 = vector.broadcast %add3A_330 : i32 to vector<16xi32>
        %lt3A_332 = arith.cmpf olt, %sub3A_328, %select_n3A_309 : vector<16xf32>
        %lt3A_333 = arith.cmpf olt, %sub3A_328, %select_n3A_306 : vector<16xf32>
        %lt3A_334 = arith.cmpf olt, %sub3A_328, %select_n3A_302 : vector<16xf32>
        %select_n3A_335 = arith.select %lt3A_334, %sub3A_328, %select_n3A_302 : vector<16xi1>, vector<16xf32>
        %select_n3A_336 = arith.select %lt3A_333, %select_n3A_306, %select_n3A_335 : vector<16xi1>, vector<16xf32>
        %select_n3A_337 = arith.select %lt3A_334, %broadcast_in_dim3A_331, %select_n3A_304 : vector<16xi1>, vector<16xi32>
        %select_n3A_338 = arith.select %lt3A_333, %select_n3A_308, %select_n3A_337 : vector<16xi1>, vector<16xi32>
        %select_n3A_339 = arith.select %lt3A_333, %sub3A_328, %select_n3A_306 : vector<16xi1>, vector<16xf32>
        %select_n3A_340 = arith.select %lt3A_332, %select_n3A_309, %select_n3A_339 : vector<16xi1>, vector<16xf32>
        %select_n3A_341 = arith.select %lt3A_333, %broadcast_in_dim3A_331, %select_n3A_308 : vector<16xi1>, vector<16xi32>
        %select_n3A_342 = arith.select %lt3A_332, %select_n3A_310, %select_n3A_341 : vector<16xi1>, vector<16xi32>
        %select_n3A_343 = arith.select %lt3A_332, %sub3A_328, %select_n3A_309 : vector<16xi1>, vector<16xf32>
        %select_n3A_344 = arith.select %lt3A_332, %broadcast_in_dim3A_331, %select_n3A_310 : vector<16xi1>, vector<16xi32>
        %slice3A_345 = vector.extract_strided_slice %get3A_77 {offsets = [8], sizes = [1], strides = [1]} : vector<16xf32> to vector<1xf32>
        %squeeze3A_346 = vector.extract %slice3A_345[0] : f32 from vector<1xf32>
        %slice3A_347 = vector.extract_strided_slice %get3A_68 {offsets = [8], sizes = [1], strides = [1]} : vector<16xf32> to vector<1xf32>
        %squeeze3A_348 = vector.extract %slice3A_347[0] : f32 from vector<1xf32>
        %mul3A_349 = vector.broadcast %squeeze3A_348 : f32 to vector<16xf32>
        %mul3A_350 = arith.mulf %add3A_22, %mul3A_349 : vector<16xf32>
        %slice3A_351 = vector.extract_strided_slice %get3A_71 {offsets = [8], sizes = [1], strides = [1]} : vector<16xf32> to vector<1xf32>
        %squeeze3A_352 = vector.extract %slice3A_351[0] : f32 from vector<1xf32>
        %mul3A_353 = vector.broadcast %squeeze3A_352 : f32 to vector<16xf32>
        %mul3A_354 = arith.mulf %add3A_23, %mul3A_353 : vector<16xf32>
        %add3A_355 = arith.addf %mul3A_350, %mul3A_354 : vector<16xf32>
        %slice3A_356 = vector.extract_strided_slice %get3A_74 {offsets = [8], sizes = [1], strides = [1]} : vector<16xf32> to vector<1xf32>
        %squeeze3A_357 = vector.extract %slice3A_356[0] : f32 from vector<1xf32>
        %mul3A_358 = vector.broadcast %squeeze3A_357 : f32 to vector<16xf32>
        %mul3A_359 = arith.mulf %add3A_24, %mul3A_358 : vector<16xf32>
        %add3A_360 = arith.addf %add3A_355, %mul3A_359 : vector<16xf32>
        %sub3A_361 = vector.broadcast %squeeze3A_346 : f32 to vector<16xf32>
        %sub3A_362 = arith.subf %sub3A_361, %add3A_360 : vector<16xf32>
        %add3A_363 = arith.constant 8 : i32
        %add3A_364 = arith.addi %mul3A_65, %add3A_363 : i32
        %broadcast_in_dim3A_365 = vector.broadcast %add3A_364 : i32 to vector<16xi32>
        %lt3A_366 = arith.cmpf olt, %sub3A_362, %select_n3A_343 : vector<16xf32>
        %lt3A_367 = arith.cmpf olt, %sub3A_362, %select_n3A_340 : vector<16xf32>
        %lt3A_368 = arith.cmpf olt, %sub3A_362, %select_n3A_336 : vector<16xf32>
        %select_n3A_369 = arith.select %lt3A_368, %sub3A_362, %select_n3A_336 : vector<16xi1>, vector<16xf32>
        %select_n3A_370 = arith.select %lt3A_367, %select_n3A_340, %select_n3A_369 : vector<16xi1>, vector<16xf32>
        %select_n3A_371 = arith.select %lt3A_368, %broadcast_in_dim3A_365, %select_n3A_338 : vector<16xi1>, vector<16xi32>
        %select_n3A_372 = arith.select %lt3A_367, %select_n3A_342, %select_n3A_371 : vector<16xi1>, vector<16xi32>
        %select_n3A_373 = arith.select %lt3A_367, %sub3A_362, %select_n3A_340 : vector<16xi1>, vector<16xf32>
        %select_n3A_374 = arith.select %lt3A_366, %select_n3A_343, %select_n3A_373 : vector<16xi1>, vector<16xf32>
        %select_n3A_375 = arith.select %lt3A_367, %broadcast_in_dim3A_365, %select_n3A_342 : vector<16xi1>, vector<16xi32>
        %select_n3A_376 = arith.select %lt3A_366, %select_n3A_344, %select_n3A_375 : vector<16xi1>, vector<16xi32>
        %select_n3A_377 = arith.select %lt3A_366, %sub3A_362, %select_n3A_343 : vector<16xi1>, vector<16xf32>
        %select_n3A_378 = arith.select %lt3A_366, %broadcast_in_dim3A_365, %select_n3A_344 : vector<16xi1>, vector<16xi32>
        %slice3A_379 = vector.extract_strided_slice %get3A_77 {offsets = [9], sizes = [1], strides = [1]} : vector<16xf32> to vector<1xf32>
        %squeeze3A_380 = vector.extract %slice3A_379[0] : f32 from vector<1xf32>
        %slice3A_381 = vector.extract_strided_slice %get3A_68 {offsets = [9], sizes = [1], strides = [1]} : vector<16xf32> to vector<1xf32>
        %squeeze3A_382 = vector.extract %slice3A_381[0] : f32 from vector<1xf32>
        %mul3A_383 = vector.broadcast %squeeze3A_382 : f32 to vector<16xf32>
        %mul3A_384 = arith.mulf %add3A_22, %mul3A_383 : vector<16xf32>
        %slice3A_385 = vector.extract_strided_slice %get3A_71 {offsets = [9], sizes = [1], strides = [1]} : vector<16xf32> to vector<1xf32>
        %squeeze3A_386 = vector.extract %slice3A_385[0] : f32 from vector<1xf32>
        %mul3A_387 = vector.broadcast %squeeze3A_386 : f32 to vector<16xf32>
        %mul3A_388 = arith.mulf %add3A_23, %mul3A_387 : vector<16xf32>
        %add3A_389 = arith.addf %mul3A_384, %mul3A_388 : vector<16xf32>
        %slice3A_390 = vector.extract_strided_slice %get3A_74 {offsets = [9], sizes = [1], strides = [1]} : vector<16xf32> to vector<1xf32>
        %squeeze3A_391 = vector.extract %slice3A_390[0] : f32 from vector<1xf32>
        %mul3A_392 = vector.broadcast %squeeze3A_391 : f32 to vector<16xf32>
        %mul3A_393 = arith.mulf %add3A_24, %mul3A_392 : vector<16xf32>
        %add3A_394 = arith.addf %add3A_389, %mul3A_393 : vector<16xf32>
        %sub3A_395 = vector.broadcast %squeeze3A_380 : f32 to vector<16xf32>
        %sub3A_396 = arith.subf %sub3A_395, %add3A_394 : vector<16xf32>
        %add3A_397 = arith.constant 9 : i32
        %add3A_398 = arith.addi %mul3A_65, %add3A_397 : i32
        %broadcast_in_dim3A_399 = vector.broadcast %add3A_398 : i32 to vector<16xi32>
        %lt3A_400 = arith.cmpf olt, %sub3A_396, %select_n3A_377 : vector<16xf32>
        %lt3A_401 = arith.cmpf olt, %sub3A_396, %select_n3A_374 : vector<16xf32>
        %lt3A_402 = arith.cmpf olt, %sub3A_396, %select_n3A_370 : vector<16xf32>
        %select_n3A_403 = arith.select %lt3A_402, %sub3A_396, %select_n3A_370 : vector<16xi1>, vector<16xf32>
        %select_n3A_404 = arith.select %lt3A_401, %select_n3A_374, %select_n3A_403 : vector<16xi1>, vector<16xf32>
        %select_n3A_405 = arith.select %lt3A_402, %broadcast_in_dim3A_399, %select_n3A_372 : vector<16xi1>, vector<16xi32>
        %select_n3A_406 = arith.select %lt3A_401, %select_n3A_376, %select_n3A_405 : vector<16xi1>, vector<16xi32>
        %select_n3A_407 = arith.select %lt3A_401, %sub3A_396, %select_n3A_374 : vector<16xi1>, vector<16xf32>
        %select_n3A_408 = arith.select %lt3A_400, %select_n3A_377, %select_n3A_407 : vector<16xi1>, vector<16xf32>
        %select_n3A_409 = arith.select %lt3A_401, %broadcast_in_dim3A_399, %select_n3A_376 : vector<16xi1>, vector<16xi32>
        %select_n3A_410 = arith.select %lt3A_400, %select_n3A_378, %select_n3A_409 : vector<16xi1>, vector<16xi32>
        %select_n3A_411 = arith.select %lt3A_400, %sub3A_396, %select_n3A_377 : vector<16xi1>, vector<16xf32>
        %select_n3A_412 = arith.select %lt3A_400, %broadcast_in_dim3A_399, %select_n3A_378 : vector<16xi1>, vector<16xi32>
        %slice3A_413 = vector.extract_strided_slice %get3A_77 {offsets = [10], sizes = [1], strides = [1]} : vector<16xf32> to vector<1xf32>
        %squeeze3A_414 = vector.extract %slice3A_413[0] : f32 from vector<1xf32>
        %slice3A_415 = vector.extract_strided_slice %get3A_68 {offsets = [10], sizes = [1], strides = [1]} : vector<16xf32> to vector<1xf32>
        %squeeze3A_416 = vector.extract %slice3A_415[0] : f32 from vector<1xf32>
        %mul3A_417 = vector.broadcast %squeeze3A_416 : f32 to vector<16xf32>
        %mul3A_418 = arith.mulf %add3A_22, %mul3A_417 : vector<16xf32>
        %slice3A_419 = vector.extract_strided_slice %get3A_71 {offsets = [10], sizes = [1], strides = [1]} : vector<16xf32> to vector<1xf32>
        %squeeze3A_420 = vector.extract %slice3A_419[0] : f32 from vector<1xf32>
        %mul3A_421 = vector.broadcast %squeeze3A_420 : f32 to vector<16xf32>
        %mul3A_422 = arith.mulf %add3A_23, %mul3A_421 : vector<16xf32>
        %add3A_423 = arith.addf %mul3A_418, %mul3A_422 : vector<16xf32>
        %slice3A_424 = vector.extract_strided_slice %get3A_74 {offsets = [10], sizes = [1], strides = [1]} : vector<16xf32> to vector<1xf32>
        %squeeze3A_425 = vector.extract %slice3A_424[0] : f32 from vector<1xf32>
        %mul3A_426 = vector.broadcast %squeeze3A_425 : f32 to vector<16xf32>
        %mul3A_427 = arith.mulf %add3A_24, %mul3A_426 : vector<16xf32>
        %add3A_428 = arith.addf %add3A_423, %mul3A_427 : vector<16xf32>
        %sub3A_429 = vector.broadcast %squeeze3A_414 : f32 to vector<16xf32>
        %sub3A_430 = arith.subf %sub3A_429, %add3A_428 : vector<16xf32>
        %add3A_431 = arith.constant 10 : i32
        %add3A_432 = arith.addi %mul3A_65, %add3A_431 : i32
        %broadcast_in_dim3A_433 = vector.broadcast %add3A_432 : i32 to vector<16xi32>
        %lt3A_434 = arith.cmpf olt, %sub3A_430, %select_n3A_411 : vector<16xf32>
        %lt3A_435 = arith.cmpf olt, %sub3A_430, %select_n3A_408 : vector<16xf32>
        %lt3A_436 = arith.cmpf olt, %sub3A_430, %select_n3A_404 : vector<16xf32>
        %select_n3A_437 = arith.select %lt3A_436, %sub3A_430, %select_n3A_404 : vector<16xi1>, vector<16xf32>
        %select_n3A_438 = arith.select %lt3A_435, %select_n3A_408, %select_n3A_437 : vector<16xi1>, vector<16xf32>
        %select_n3A_439 = arith.select %lt3A_436, %broadcast_in_dim3A_433, %select_n3A_406 : vector<16xi1>, vector<16xi32>
        %select_n3A_440 = arith.select %lt3A_435, %select_n3A_410, %select_n3A_439 : vector<16xi1>, vector<16xi32>
        %select_n3A_441 = arith.select %lt3A_435, %sub3A_430, %select_n3A_408 : vector<16xi1>, vector<16xf32>
        %select_n3A_442 = arith.select %lt3A_434, %select_n3A_411, %select_n3A_441 : vector<16xi1>, vector<16xf32>
        %select_n3A_443 = arith.select %lt3A_435, %broadcast_in_dim3A_433, %select_n3A_410 : vector<16xi1>, vector<16xi32>
        %select_n3A_444 = arith.select %lt3A_434, %select_n3A_412, %select_n3A_443 : vector<16xi1>, vector<16xi32>
        %select_n3A_445 = arith.select %lt3A_434, %sub3A_430, %select_n3A_411 : vector<16xi1>, vector<16xf32>
        %select_n3A_446 = arith.select %lt3A_434, %broadcast_in_dim3A_433, %select_n3A_412 : vector<16xi1>, vector<16xi32>
        %slice3A_447 = vector.extract_strided_slice %get3A_77 {offsets = [11], sizes = [1], strides = [1]} : vector<16xf32> to vector<1xf32>
        %squeeze3A_448 = vector.extract %slice3A_447[0] : f32 from vector<1xf32>
        %slice3A_449 = vector.extract_strided_slice %get3A_68 {offsets = [11], sizes = [1], strides = [1]} : vector<16xf32> to vector<1xf32>
        %squeeze3A_450 = vector.extract %slice3A_449[0] : f32 from vector<1xf32>
        %mul3A_451 = vector.broadcast %squeeze3A_450 : f32 to vector<16xf32>
        %mul3A_452 = arith.mulf %add3A_22, %mul3A_451 : vector<16xf32>
        %slice3A_453 = vector.extract_strided_slice %get3A_71 {offsets = [11], sizes = [1], strides = [1]} : vector<16xf32> to vector<1xf32>
        %squeeze3A_454 = vector.extract %slice3A_453[0] : f32 from vector<1xf32>
        %mul3A_455 = vector.broadcast %squeeze3A_454 : f32 to vector<16xf32>
        %mul3A_456 = arith.mulf %add3A_23, %mul3A_455 : vector<16xf32>
        %add3A_457 = arith.addf %mul3A_452, %mul3A_456 : vector<16xf32>
        %slice3A_458 = vector.extract_strided_slice %get3A_74 {offsets = [11], sizes = [1], strides = [1]} : vector<16xf32> to vector<1xf32>
        %squeeze3A_459 = vector.extract %slice3A_458[0] : f32 from vector<1xf32>
        %mul3A_460 = vector.broadcast %squeeze3A_459 : f32 to vector<16xf32>
        %mul3A_461 = arith.mulf %add3A_24, %mul3A_460 : vector<16xf32>
        %add3A_462 = arith.addf %add3A_457, %mul3A_461 : vector<16xf32>
        %sub3A_463 = vector.broadcast %squeeze3A_448 : f32 to vector<16xf32>
        %sub3A_464 = arith.subf %sub3A_463, %add3A_462 : vector<16xf32>
        %add3A_465 = arith.constant 11 : i32
        %add3A_466 = arith.addi %mul3A_65, %add3A_465 : i32
        %broadcast_in_dim3A_467 = vector.broadcast %add3A_466 : i32 to vector<16xi32>
        %lt3A_468 = arith.cmpf olt, %sub3A_464, %select_n3A_445 : vector<16xf32>
        %lt3A_469 = arith.cmpf olt, %sub3A_464, %select_n3A_442 : vector<16xf32>
        %lt3A_470 = arith.cmpf olt, %sub3A_464, %select_n3A_438 : vector<16xf32>
        %select_n3A_471 = arith.select %lt3A_470, %sub3A_464, %select_n3A_438 : vector<16xi1>, vector<16xf32>
        %select_n3A_472 = arith.select %lt3A_469, %select_n3A_442, %select_n3A_471 : vector<16xi1>, vector<16xf32>
        %select_n3A_473 = arith.select %lt3A_470, %broadcast_in_dim3A_467, %select_n3A_440 : vector<16xi1>, vector<16xi32>
        %select_n3A_474 = arith.select %lt3A_469, %select_n3A_444, %select_n3A_473 : vector<16xi1>, vector<16xi32>
        %select_n3A_475 = arith.select %lt3A_469, %sub3A_464, %select_n3A_442 : vector<16xi1>, vector<16xf32>
        %select_n3A_476 = arith.select %lt3A_468, %select_n3A_445, %select_n3A_475 : vector<16xi1>, vector<16xf32>
        %select_n3A_477 = arith.select %lt3A_469, %broadcast_in_dim3A_467, %select_n3A_444 : vector<16xi1>, vector<16xi32>
        %select_n3A_478 = arith.select %lt3A_468, %select_n3A_446, %select_n3A_477 : vector<16xi1>, vector<16xi32>
        %select_n3A_479 = arith.select %lt3A_468, %sub3A_464, %select_n3A_445 : vector<16xi1>, vector<16xf32>
        %select_n3A_480 = arith.select %lt3A_468, %broadcast_in_dim3A_467, %select_n3A_446 : vector<16xi1>, vector<16xi32>
        %slice3A_481 = vector.extract_strided_slice %get3A_77 {offsets = [12], sizes = [1], strides = [1]} : vector<16xf32> to vector<1xf32>
        %squeeze3A_482 = vector.extract %slice3A_481[0] : f32 from vector<1xf32>
        %slice3A_483 = vector.extract_strided_slice %get3A_68 {offsets = [12], sizes = [1], strides = [1]} : vector<16xf32> to vector<1xf32>
        %squeeze3A_484 = vector.extract %slice3A_483[0] : f32 from vector<1xf32>
        %mul3A_485 = vector.broadcast %squeeze3A_484 : f32 to vector<16xf32>
        %mul3A_486 = arith.mulf %add3A_22, %mul3A_485 : vector<16xf32>
        %slice3A_487 = vector.extract_strided_slice %get3A_71 {offsets = [12], sizes = [1], strides = [1]} : vector<16xf32> to vector<1xf32>
        %squeeze3A_488 = vector.extract %slice3A_487[0] : f32 from vector<1xf32>
        %mul3A_489 = vector.broadcast %squeeze3A_488 : f32 to vector<16xf32>
        %mul3A_490 = arith.mulf %add3A_23, %mul3A_489 : vector<16xf32>
        %add3A_491 = arith.addf %mul3A_486, %mul3A_490 : vector<16xf32>
        %slice3A_492 = vector.extract_strided_slice %get3A_74 {offsets = [12], sizes = [1], strides = [1]} : vector<16xf32> to vector<1xf32>
        %squeeze3A_493 = vector.extract %slice3A_492[0] : f32 from vector<1xf32>
        %mul3A_494 = vector.broadcast %squeeze3A_493 : f32 to vector<16xf32>
        %mul3A_495 = arith.mulf %add3A_24, %mul3A_494 : vector<16xf32>
        %add3A_496 = arith.addf %add3A_491, %mul3A_495 : vector<16xf32>
        %sub3A_497 = vector.broadcast %squeeze3A_482 : f32 to vector<16xf32>
        %sub3A_498 = arith.subf %sub3A_497, %add3A_496 : vector<16xf32>
        %add3A_499 = arith.constant 12 : i32
        %add3A_500 = arith.addi %mul3A_65, %add3A_499 : i32
        %broadcast_in_dim3A_501 = vector.broadcast %add3A_500 : i32 to vector<16xi32>
        %lt3A_502 = arith.cmpf olt, %sub3A_498, %select_n3A_479 : vector<16xf32>
        %lt3A_503 = arith.cmpf olt, %sub3A_498, %select_n3A_476 : vector<16xf32>
        %lt3A_504 = arith.cmpf olt, %sub3A_498, %select_n3A_472 : vector<16xf32>
        %select_n3A_505 = arith.select %lt3A_504, %sub3A_498, %select_n3A_472 : vector<16xi1>, vector<16xf32>
        %select_n3A_506 = arith.select %lt3A_503, %select_n3A_476, %select_n3A_505 : vector<16xi1>, vector<16xf32>
        %select_n3A_507 = arith.select %lt3A_504, %broadcast_in_dim3A_501, %select_n3A_474 : vector<16xi1>, vector<16xi32>
        %select_n3A_508 = arith.select %lt3A_503, %select_n3A_478, %select_n3A_507 : vector<16xi1>, vector<16xi32>
        %select_n3A_509 = arith.select %lt3A_503, %sub3A_498, %select_n3A_476 : vector<16xi1>, vector<16xf32>
        %select_n3A_510 = arith.select %lt3A_502, %select_n3A_479, %select_n3A_509 : vector<16xi1>, vector<16xf32>
        %select_n3A_511 = arith.select %lt3A_503, %broadcast_in_dim3A_501, %select_n3A_478 : vector<16xi1>, vector<16xi32>
        %select_n3A_512 = arith.select %lt3A_502, %select_n3A_480, %select_n3A_511 : vector<16xi1>, vector<16xi32>
        %select_n3A_513 = arith.select %lt3A_502, %sub3A_498, %select_n3A_479 : vector<16xi1>, vector<16xf32>
        %select_n3A_514 = arith.select %lt3A_502, %broadcast_in_dim3A_501, %select_n3A_480 : vector<16xi1>, vector<16xi32>
        %slice3A_515 = vector.extract_strided_slice %get3A_77 {offsets = [13], sizes = [1], strides = [1]} : vector<16xf32> to vector<1xf32>
        %squeeze3A_516 = vector.extract %slice3A_515[0] : f32 from vector<1xf32>
        %slice3A_517 = vector.extract_strided_slice %get3A_68 {offsets = [13], sizes = [1], strides = [1]} : vector<16xf32> to vector<1xf32>
        %squeeze3A_518 = vector.extract %slice3A_517[0] : f32 from vector<1xf32>
        %mul3A_519 = vector.broadcast %squeeze3A_518 : f32 to vector<16xf32>
        %mul3A_520 = arith.mulf %add3A_22, %mul3A_519 : vector<16xf32>
        %slice3A_521 = vector.extract_strided_slice %get3A_71 {offsets = [13], sizes = [1], strides = [1]} : vector<16xf32> to vector<1xf32>
        %squeeze3A_522 = vector.extract %slice3A_521[0] : f32 from vector<1xf32>
        %mul3A_523 = vector.broadcast %squeeze3A_522 : f32 to vector<16xf32>
        %mul3A_524 = arith.mulf %add3A_23, %mul3A_523 : vector<16xf32>
        %add3A_525 = arith.addf %mul3A_520, %mul3A_524 : vector<16xf32>
        %slice3A_526 = vector.extract_strided_slice %get3A_74 {offsets = [13], sizes = [1], strides = [1]} : vector<16xf32> to vector<1xf32>
        %squeeze3A_527 = vector.extract %slice3A_526[0] : f32 from vector<1xf32>
        %mul3A_528 = vector.broadcast %squeeze3A_527 : f32 to vector<16xf32>
        %mul3A_529 = arith.mulf %add3A_24, %mul3A_528 : vector<16xf32>
        %add3A_530 = arith.addf %add3A_525, %mul3A_529 : vector<16xf32>
        %sub3A_531 = vector.broadcast %squeeze3A_516 : f32 to vector<16xf32>
        %sub3A_532 = arith.subf %sub3A_531, %add3A_530 : vector<16xf32>
        %add3A_533 = arith.constant 13 : i32
        %add3A_534 = arith.addi %mul3A_65, %add3A_533 : i32
        %broadcast_in_dim3A_535 = vector.broadcast %add3A_534 : i32 to vector<16xi32>
        %lt3A_536 = arith.cmpf olt, %sub3A_532, %select_n3A_513 : vector<16xf32>
        %lt3A_537 = arith.cmpf olt, %sub3A_532, %select_n3A_510 : vector<16xf32>
        %lt3A_538 = arith.cmpf olt, %sub3A_532, %select_n3A_506 : vector<16xf32>
        %select_n3A_539 = arith.select %lt3A_538, %sub3A_532, %select_n3A_506 : vector<16xi1>, vector<16xf32>
        %select_n3A_540 = arith.select %lt3A_537, %select_n3A_510, %select_n3A_539 : vector<16xi1>, vector<16xf32>
        %select_n3A_541 = arith.select %lt3A_538, %broadcast_in_dim3A_535, %select_n3A_508 : vector<16xi1>, vector<16xi32>
        %select_n3A_542 = arith.select %lt3A_537, %select_n3A_512, %select_n3A_541 : vector<16xi1>, vector<16xi32>
        %select_n3A_543 = arith.select %lt3A_537, %sub3A_532, %select_n3A_510 : vector<16xi1>, vector<16xf32>
        %select_n3A_544 = arith.select %lt3A_536, %select_n3A_513, %select_n3A_543 : vector<16xi1>, vector<16xf32>
        %select_n3A_545 = arith.select %lt3A_537, %broadcast_in_dim3A_535, %select_n3A_512 : vector<16xi1>, vector<16xi32>
        %select_n3A_546 = arith.select %lt3A_536, %select_n3A_514, %select_n3A_545 : vector<16xi1>, vector<16xi32>
        %select_n3A_547 = arith.select %lt3A_536, %sub3A_532, %select_n3A_513 : vector<16xi1>, vector<16xf32>
        %select_n3A_548 = arith.select %lt3A_536, %broadcast_in_dim3A_535, %select_n3A_514 : vector<16xi1>, vector<16xi32>
        %slice3A_549 = vector.extract_strided_slice %get3A_77 {offsets = [14], sizes = [1], strides = [1]} : vector<16xf32> to vector<1xf32>
        %squeeze3A_550 = vector.extract %slice3A_549[0] : f32 from vector<1xf32>
        %slice3A_551 = vector.extract_strided_slice %get3A_68 {offsets = [14], sizes = [1], strides = [1]} : vector<16xf32> to vector<1xf32>
        %squeeze3A_552 = vector.extract %slice3A_551[0] : f32 from vector<1xf32>
        %mul3A_553 = vector.broadcast %squeeze3A_552 : f32 to vector<16xf32>
        %mul3A_554 = arith.mulf %add3A_22, %mul3A_553 : vector<16xf32>
        %slice3A_555 = vector.extract_strided_slice %get3A_71 {offsets = [14], sizes = [1], strides = [1]} : vector<16xf32> to vector<1xf32>
        %squeeze3A_556 = vector.extract %slice3A_555[0] : f32 from vector<1xf32>
        %mul3A_557 = vector.broadcast %squeeze3A_556 : f32 to vector<16xf32>
        %mul3A_558 = arith.mulf %add3A_23, %mul3A_557 : vector<16xf32>
        %add3A_559 = arith.addf %mul3A_554, %mul3A_558 : vector<16xf32>
        %slice3A_560 = vector.extract_strided_slice %get3A_74 {offsets = [14], sizes = [1], strides = [1]} : vector<16xf32> to vector<1xf32>
        %squeeze3A_561 = vector.extract %slice3A_560[0] : f32 from vector<1xf32>
        %mul3A_562 = vector.broadcast %squeeze3A_561 : f32 to vector<16xf32>
        %mul3A_563 = arith.mulf %add3A_24, %mul3A_562 : vector<16xf32>
        %add3A_564 = arith.addf %add3A_559, %mul3A_563 : vector<16xf32>
        %sub3A_565 = vector.broadcast %squeeze3A_550 : f32 to vector<16xf32>
        %sub3A_566 = arith.subf %sub3A_565, %add3A_564 : vector<16xf32>
        %add3A_567 = arith.constant 14 : i32
        %add3A_568 = arith.addi %mul3A_65, %add3A_567 : i32
        %broadcast_in_dim3A_569 = vector.broadcast %add3A_568 : i32 to vector<16xi32>
        %lt3A_570 = arith.cmpf olt, %sub3A_566, %select_n3A_547 : vector<16xf32>
        %lt3A_571 = arith.cmpf olt, %sub3A_566, %select_n3A_544 : vector<16xf32>
        %lt3A_572 = arith.cmpf olt, %sub3A_566, %select_n3A_540 : vector<16xf32>
        %select_n3A_573 = arith.select %lt3A_572, %sub3A_566, %select_n3A_540 : vector<16xi1>, vector<16xf32>
        %select_n3A_574 = arith.select %lt3A_571, %select_n3A_544, %select_n3A_573 : vector<16xi1>, vector<16xf32>
        %select_n3A_575 = arith.select %lt3A_572, %broadcast_in_dim3A_569, %select_n3A_542 : vector<16xi1>, vector<16xi32>
        %select_n3A_576 = arith.select %lt3A_571, %select_n3A_546, %select_n3A_575 : vector<16xi1>, vector<16xi32>
        %select_n3A_577 = arith.select %lt3A_571, %sub3A_566, %select_n3A_544 : vector<16xi1>, vector<16xf32>
        %select_n3A_578 = arith.select %lt3A_570, %select_n3A_547, %select_n3A_577 : vector<16xi1>, vector<16xf32>
        %select_n3A_579 = arith.select %lt3A_571, %broadcast_in_dim3A_569, %select_n3A_546 : vector<16xi1>, vector<16xi32>
        %select_n3A_580 = arith.select %lt3A_570, %select_n3A_548, %select_n3A_579 : vector<16xi1>, vector<16xi32>
        %select_n3A_581 = arith.select %lt3A_570, %sub3A_566, %select_n3A_547 : vector<16xi1>, vector<16xf32>
        %select_n3A_582 = arith.select %lt3A_570, %broadcast_in_dim3A_569, %select_n3A_548 : vector<16xi1>, vector<16xi32>
        %slice3A_583 = vector.extract_strided_slice %get3A_77 {offsets = [15], sizes = [1], strides = [1]} : vector<16xf32> to vector<1xf32>
        %squeeze3A_584 = vector.extract %slice3A_583[0] : f32 from vector<1xf32>
        %slice3A_585 = vector.extract_strided_slice %get3A_68 {offsets = [15], sizes = [1], strides = [1]} : vector<16xf32> to vector<1xf32>
        %squeeze3A_586 = vector.extract %slice3A_585[0] : f32 from vector<1xf32>
        %mul3A_587 = vector.broadcast %squeeze3A_586 : f32 to vector<16xf32>
        %mul3A_588 = arith.mulf %add3A_22, %mul3A_587 : vector<16xf32>
        %slice3A_589 = vector.extract_strided_slice %get3A_71 {offsets = [15], sizes = [1], strides = [1]} : vector<16xf32> to vector<1xf32>
        %squeeze3A_590 = vector.extract %slice3A_589[0] : f32 from vector<1xf32>
        %mul3A_591 = vector.broadcast %squeeze3A_590 : f32 to vector<16xf32>
        %mul3A_592 = arith.mulf %add3A_23, %mul3A_591 : vector<16xf32>
        %add3A_593 = arith.addf %mul3A_588, %mul3A_592 : vector<16xf32>
        %slice3A_594 = vector.extract_strided_slice %get3A_74 {offsets = [15], sizes = [1], strides = [1]} : vector<16xf32> to vector<1xf32>
        %squeeze3A_595 = vector.extract %slice3A_594[0] : f32 from vector<1xf32>
        %mul3A_596 = vector.broadcast %squeeze3A_595 : f32 to vector<16xf32>
        %mul3A_597 = arith.mulf %add3A_24, %mul3A_596 : vector<16xf32>
        %add3A_598 = arith.addf %add3A_593, %mul3A_597 : vector<16xf32>
        %sub3A_599 = vector.broadcast %squeeze3A_584 : f32 to vector<16xf32>
        %sub3A_600 = arith.subf %sub3A_599, %add3A_598 : vector<16xf32>
        %add3A_601 = arith.constant 15 : i32
        %add3A_602 = arith.addi %mul3A_65, %add3A_601 : i32
        %broadcast_in_dim3A_603 = vector.broadcast %add3A_602 : i32 to vector<16xi32>
        %lt3A_604 = arith.cmpf olt, %sub3A_600, %select_n3A_581 : vector<16xf32>
        %lt3A_605 = arith.cmpf olt, %sub3A_600, %select_n3A_578 : vector<16xf32>
        %lt3A_606 = arith.cmpf olt, %sub3A_600, %select_n3A_574 : vector<16xf32>
        %select_n3A_607 = arith.select %lt3A_606, %sub3A_600, %select_n3A_574 : vector<16xi1>, vector<16xf32>
        %select_n3A_608 = arith.select %lt3A_605, %select_n3A_578, %select_n3A_607 : vector<16xi1>, vector<16xf32>
        %select_n3A_609 = arith.select %lt3A_606, %broadcast_in_dim3A_603, %select_n3A_576 : vector<16xi1>, vector<16xi32>
        %select_n3A_610 = arith.select %lt3A_605, %select_n3A_580, %select_n3A_609 : vector<16xi1>, vector<16xi32>
        %select_n3A_611 = arith.select %lt3A_605, %sub3A_600, %select_n3A_578 : vector<16xi1>, vector<16xf32>
        %select_n3A_612 = arith.select %lt3A_604, %select_n3A_581, %select_n3A_611 : vector<16xi1>, vector<16xf32>
        %select_n3A_613 = arith.select %lt3A_605, %broadcast_in_dim3A_603, %select_n3A_580 : vector<16xi1>, vector<16xi32>
        %select_n3A_614 = arith.select %lt3A_604, %select_n3A_582, %select_n3A_613 : vector<16xi1>, vector<16xi32>
        %select_n3A_615 = arith.select %lt3A_604, %sub3A_600, %select_n3A_581 : vector<16xi1>, vector<16xf32>
        %select_n3A_616 = arith.select %lt3A_604, %broadcast_in_dim3A_603, %select_n3A_582 : vector<16xi1>, vector<16xi32>
        scf.yield %select_n3A_615, %select_n3A_612, %select_n3A_608, %select_n3A_616, %select_n3A_614, %select_n3A_610 : vector<16xf32>, vector<16xf32>, vector<16xf32>, vector<16xi32>, vector<16xi32>, vector<16xi32>
      }
      %scan3A_41 = arith.constant 512 : i32
      %mul3A_42 = arith.constant 16 : i32
      %mul3A_43 = arith.muli %scan3A_8, %mul3A_42 : i32
      %convert_element_type3A = arith.sitofp %scan3A_40#3 : vector<16xi32> to vector<16xf32>
      %swap3A = arith.index_cast %mul3A_43 : i32 to index
      %swap3A_44 = tpu.vector_load %arg13[%swap3A] {strides = array<i32>} : memref<80xf32, #tpu.memory_space<vmem>>, vector<16xf32>,
      %swap3A_45 = vector.shape_cast %swap3A_44 : vector<16xf32> to vector<16xf32>
      %swap3A_46 = vector.shape_cast %convert_element_type3A : vector<16xf32> to vector<16xf32>
      tpu.vector_store %arg13[%swap3A], %swap3A_46 {strides = array<i32>} : memref<80xf32, #tpu.memory_space<vmem>>, vector<16xf32>,
      %convert_element_type3A_47 = arith.sitofp %scan3A_40#4 : vector<16xi32> to vector<16xf32>
      %swap3A_48 = arith.index_cast %mul3A_43 : i32 to index
      %swap3A_49 = tpu.vector_load %arg14[%swap3A_48] {strides = array<i32>} : memref<80xf32, #tpu.memory_space<vmem>>, vector<16xf32>,
      %swap3A_50 = vector.shape_cast %swap3A_49 : vector<16xf32> to vector<16xf32>
      %swap3A_51 = vector.shape_cast %convert_element_type3A_47 : vector<16xf32> to vector<16xf32>
      tpu.vector_store %arg14[%swap3A_48], %swap3A_51 {strides = array<i32>} : memref<80xf32, #tpu.memory_space<vmem>>, vector<16xf32>,
      %convert_element_type3A_52 = arith.sitofp %scan3A_40#5 : vector<16xi32> to vector<16xf32>
      %swap3A_53 = arith.index_cast %mul3A_43 : i32 to index
      %swap3A_54 = tpu.vector_load %arg15[%swap3A_53] {strides = array<i32>} : memref<80xf32, #tpu.memory_space<vmem>>, vector<16xf32>,
      %swap3A_55 = vector.shape_cast %swap3A_54 : vector<16xf32> to vector<16xf32>
      %swap3A_56 = vector.shape_cast %convert_element_type3A_52 : vector<16xf32> to vector<16xf32>
      tpu.vector_store %arg15[%swap3A_53], %swap3A_56 {strides = array<i32>} : memref<80xf32, #tpu.memory_space<vmem>>, vector<16xf32>,
    }
    %scan3A_7 = arith.constant 5 : i32
    "tpu.region"() ({
      %run_scoped3A = tpu.sem_alloc : memref<!tpu.dma_semaphore, #tpu.memory_space<semaphore_mem>>
      %dma_start3A = tpu.memref_slice %arg6[%mul3A_2] : memref<2560xf32, #tpu.memory_space<hbm>> -> memref<80xf32, #tpu.memory_space<hbm>>
      %dma_start3A_8 = tpu.memref_slice %arg6[%mul3A_2] : memref<2560xf32, #tpu.memory_space<hbm>> -> memref<80xf32, #tpu.memory_space<hbm>>
      tpu.enqueue_dma source(%arg13 : memref<80xf32, #tpu.memory_space<vmem>>) target(%dma_start3A_8 : memref<80xf32, #tpu.memory_space<hbm>>) target_semaphore(%run_scoped3A : memref<!tpu.dma_semaphore, #tpu.memory_space<semaphore_mem>>)
      %dma_wait3A = tpu.memref_slice %arg6[%mul3A_2] : memref<2560xf32, #tpu.memory_space<hbm>> -> memref<80xf32, #tpu.memory_space<hbm>>
      %dma_wait3A_9 = tpu.memref_slice %arg6[%mul3A_2] : memref<2560xf32, #tpu.memory_space<hbm>> -> memref<80xf32, #tpu.memory_space<hbm>>
      tpu.wait_dma2 semaphore(%run_scoped3A : memref<!tpu.dma_semaphore, #tpu.memory_space<semaphore_mem>>) src(%arg13 : memref<80xf32, #tpu.memory_space<vmem>>) dst(%dma_wait3A_9 : memref<80xf32, #tpu.memory_space<hbm>>)
      tpu.yield
    }) : () -> ()
    "tpu.region"() ({
      %run_scoped3A = tpu.sem_alloc : memref<!tpu.dma_semaphore, #tpu.memory_space<semaphore_mem>>
      %dma_start3A = tpu.memref_slice %arg7[%mul3A_2] : memref<2560xf32, #tpu.memory_space<hbm>> -> memref<80xf32, #tpu.memory_space<hbm>>
      %dma_start3A_8 = tpu.memref_slice %arg7[%mul3A_2] : memref<2560xf32, #tpu.memory_space<hbm>> -> memref<80xf32, #tpu.memory_space<hbm>>
      tpu.enqueue_dma source(%arg14 : memref<80xf32, #tpu.memory_space<vmem>>) target(%dma_start3A_8 : memref<80xf32, #tpu.memory_space<hbm>>) target_semaphore(%run_scoped3A : memref<!tpu.dma_semaphore, #tpu.memory_space<semaphore_mem>>)
      %dma_wait3A = tpu.memref_slice %arg7[%mul3A_2] : memref<2560xf32, #tpu.memory_space<hbm>> -> memref<80xf32, #tpu.memory_space<hbm>>
      %dma_wait3A_9 = tpu.memref_slice %arg7[%mul3A_2] : memref<2560xf32, #tpu.memory_space<hbm>> -> memref<80xf32, #tpu.memory_space<hbm>>
      tpu.wait_dma2 semaphore(%run_scoped3A : memref<!tpu.dma_semaphore, #tpu.memory_space<semaphore_mem>>) src(%arg14 : memref<80xf32, #tpu.memory_space<vmem>>) dst(%dma_wait3A_9 : memref<80xf32, #tpu.memory_space<hbm>>)
      tpu.yield
    }) : () -> ()
    "tpu.region"() ({
      %run_scoped3A = tpu.sem_alloc : memref<!tpu.dma_semaphore, #tpu.memory_space<semaphore_mem>>
      %dma_start3A = tpu.memref_slice %arg8[%mul3A_2] : memref<2560xf32, #tpu.memory_space<hbm>> -> memref<80xf32, #tpu.memory_space<hbm>>
      %dma_start3A_8 = tpu.memref_slice %arg8[%mul3A_2] : memref<2560xf32, #tpu.memory_space<hbm>> -> memref<80xf32, #tpu.memory_space<hbm>>
      tpu.enqueue_dma source(%arg15 : memref<80xf32, #tpu.memory_space<vmem>>) target(%dma_start3A_8 : memref<80xf32, #tpu.memory_space<hbm>>) target_semaphore(%run_scoped3A : memref<!tpu.dma_semaphore, #tpu.memory_space<semaphore_mem>>)
      %dma_wait3A = tpu.memref_slice %arg8[%mul3A_2] : memref<2560xf32, #tpu.memory_space<hbm>> -> memref<80xf32, #tpu.memory_space<hbm>>
      %dma_wait3A_9 = tpu.memref_slice %arg8[%mul3A_2] : memref<2560xf32, #tpu.memory_space<hbm>> -> memref<80xf32, #tpu.memory_space<hbm>>
      tpu.wait_dma2 semaphore(%run_scoped3A : memref<!tpu.dma_semaphore, #tpu.memory_space<semaphore_mem>>) src(%arg15 : memref<80xf32, #tpu.memory_space<vmem>>) dst(%dma_wait3A_9 : memref<80xf32, #tpu.memory_space<hbm>>)
      tpu.yield
    }) : () -> ()
    return
  }
}

module attributes {stable_mosaic.version = 14 : i64} {
  func.func @_tc_main_body(%arg0: i32, %arg1: memref<3x8192xf32, #tpu.memory_space<vmem>>, %arg2: memref<1x8192xf32, #tpu.memory_space<vmem>>, %arg3: memref<128x1xi32, #tpu.memory_space<vmem>>, %arg4: memref<128x64xf32, #tpu.memory_space<vmem>>, %arg5: memref<128x64xf32, #tpu.memory_space<vmem>>, %arg6: memref<128x64xf32, #tpu.memory_space<vmem>>, %arg7: memref<8192x3xf32, #tpu.memory_space<vmem>>, %arg8: memref<128x64xf32, #tpu.memory_space<vmem>>, %arg9: memref<128x64xf32, #tpu.memory_space<vmem>>, %arg10: memref<128x64xf32, #tpu.memory_space<vmem>>) attributes {dimension_semantics = [#tpu.dimension_semantics<arbitrary>], iteration_bounds = array<i64: 44>, scalar_prefetch = 0 : i64, scratch_operands = 0 : i64, tpu.core_type = #tpu.core_type<tc>, window_params = [{pipeline_mode = #tpu.pipeline_mode<synchronous>, transform_indices = @transform_0, window_bounds = array<i64: 3, 8192>}, {pipeline_mode = #tpu.pipeline_mode<synchronous>, transform_indices = @transform_1, window_bounds = array<i64: 1, 8192>}, {transform_indices = @transform_2, window_bounds = array<i64: 128, 1>}, {transform_indices = @transform_3, window_bounds = array<i64: 128, 64>}, {transform_indices = @transform_4, window_bounds = array<i64: 128, 64>}, {transform_indices = @transform_5, window_bounds = array<i64: 128, 64>}, {pipeline_mode = #tpu.pipeline_mode<synchronous>, transform_indices = @transform_6, window_bounds = array<i64: 8192, 3>}, {transform_indices = @transform_7, window_bounds = array<i64: 128, 64>}, {transform_indices = @transform_8, window_bounds = array<i64: 128, 64>}, {transform_indices = @transform_9, window_bounds = array<i64: 128, 64>}]} {
    %mul3A = arith.constant 128 : i32
    %mul3A_0 = arith.muli %arg0, %mul3A : i32
    %get3A = arith.index_cast %mul3A_0 : i32 to index
    %get3A_1 = arith.constant 0 : index
    %get3A_2 = vector.load %arg7[%get3A, %get3A_1] : memref<8192x3xf32, #tpu.memory_space<vmem>>, vector<128x3xf32>
    %slice3A = vector.extract_strided_slice %get3A_2 {offsets = [0, 0], sizes = [128, 1], strides = [1, 1]} : vector<128x3xf32> to vector<128x1xf32>
    %slice3A_3 = vector.extract_strided_slice %get3A_2 {offsets = [0, 1], sizes = [128, 1], strides = [1, 1]} : vector<128x3xf32> to vector<128x1xf32>
    %slice3A_4 = vector.extract_strided_slice %get3A_2 {offsets = [0, 2], sizes = [128, 1], strides = [1, 1]} : vector<128x3xf32> to vector<128x1xf32>
    %mul3A_5 = arith.mulf %slice3A, %slice3A : vector<128x1xf32>
    %mul3A_6 = arith.mulf %slice3A_3, %slice3A_3 : vector<128x1xf32>
    %add3A = arith.addf %mul3A_5, %mul3A_6 : vector<128x1xf32>
    %mul3A_7 = arith.mulf %slice3A_4, %slice3A_4 : vector<128x1xf32>
    %add3A_8 = arith.addf %add3A, %mul3A_7 : vector<128x1xf32>
    %get3A_9 = arith.constant 0 : index
    %get3A_10 = arith.constant 0 : index
    %get3A_11 = vector.load %arg1[%get3A_9, %get3A_10] : memref<3x8192xf32, #tpu.memory_space<vmem>>, vector<3x8192xf32>
    %dot_general3A = arith.constant dense<0.000000e+00> : vector<128x8192xf32>
    %dot_general3A_12 = tpu.matmul %get3A_2, %get3A_11, %dot_general3A {dimension_numbers = #tpu.dot_dimension_numbers<[1], [0], [0], [1], [0, 0, 1, 1], [], []>, transpose_lhs_hint = false} : vector<128x3xf32>, vector<3x8192xf32>, vector<128x8192xf32> -> vector<128x8192xf32>
    %get3A_13 = arith.constant 0 : index
    %get3A_14 = arith.constant 0 : index
    %get3A_15 = vector.load %arg2[%get3A_13, %get3A_14] : memref<1x8192xf32, #tpu.memory_space<vmem>>, vector<1x8192xf32>
    %add3A_16 = vector.broadcast %add3A_8 : vector<128x1xf32> to vector<128x8192xf32>
    %add3A_17 = vector.broadcast %get3A_15 : vector<1x8192xf32> to vector<128x8192xf32>
    %add3A_18 = arith.addf %add3A_16, %add3A_17 : vector<128x8192xf32>
    %sub3A = arith.subf %add3A_18, %dot_general3A_12 : vector<128x8192xf32>
    %iota3A = tpu.iota {dimensions = array<i32: 1>} : vector<128x8192xi32>
    %convert_element_type3A = arith.sitofp %iota3A : vector<128x8192xi32> to vector<128x8192xf32>
    %get3A_19 = arith.constant 0 : index
    %get3A_20 = arith.constant 0 : index
    %get3A_21 = vector.load %arg7[%get3A_19, %get3A_20] : memref<8192x3xf32, #tpu.memory_space<vmem>>, vector<8192x3xf32>
    %reduce_min3A = arith.constant dense<0x7F800000> : vector<128xf32>
    %reduce_min3A_22 = vector.multi_reduction <minimumf>, %sub3A, %reduce_min3A [1] : vector<128x8192xf32> to vector<128xf32>
    %broadcast_in_dim3A = vector.shape_cast %reduce_min3A_22 : vector<128xf32> to vector<128x1xf32>
    %eq3A = vector.broadcast %broadcast_in_dim3A : vector<128x1xf32> to vector<128x8192xf32>
    %eq3A_23 = arith.cmpf oeq, %sub3A, %eq3A : vector<128x8192xf32>
    %jit3A = arith.constant 1.638400e+04 : f32
    %broadcast_in_dim3A_24 = vector.broadcast %jit3A : f32 to vector<128x8192xf32>
    %select_n3A = arith.select %eq3A_23, %convert_element_type3A, %broadcast_in_dim3A_24 : vector<128x8192xi1>, vector<128x8192xf32>
    %reduce_min3A_25 = arith.constant dense<0x7F800000> : vector<128xf32>
    %reduce_min3A_26 = vector.multi_reduction <minimumf>, %select_n3A, %reduce_min3A_25 [1] : vector<128x8192xf32> to vector<128xf32>
    %broadcast_in_dim3A_27 = vector.shape_cast %reduce_min3A_26 : vector<128xf32> to vector<128x1xf32>
    %eq3A_28 = vector.broadcast %broadcast_in_dim3A_27 : vector<128x1xf32> to vector<128x8192xf32>
    %eq3A_29 = arith.cmpf oeq, %convert_element_type3A, %eq3A_28 : vector<128x8192xf32>
    %jit3A_30 = arith.constant 1.000000e+00 : f32
    %jit3A_31 = arith.constant 0.000000e+00 : f32
    %broadcast_in_dim3A_32 = vector.broadcast %jit3A_30 : f32 to vector<128x8192xf32>
    %broadcast_in_dim3A_33 = vector.broadcast %jit3A_31 : f32 to vector<128x8192xf32>
    %select_n3A_34 = arith.select %eq3A_29, %broadcast_in_dim3A_32, %broadcast_in_dim3A_33 : vector<128x8192xi1>, vector<128x8192xf32>
    %dot_general3A_35 = arith.constant dense<0.000000e+00> : vector<128x3xf32>
    %dot_general3A_36 = tpu.matmul %select_n3A_34, %get3A_21, %dot_general3A_35 {dimension_numbers = #tpu.dot_dimension_numbers<[1], [0], [0], [1], [0, 0, 1, 1], [], []>, transpose_lhs_hint = false} : vector<128x8192xf32>, vector<8192x3xf32>, vector<128x3xf32> -> vector<128x3xf32>
    %jit3A_37 = arith.constant 0x7F800000 : f32
    %broadcast_in_dim3A_38 = vector.broadcast %jit3A_37 : f32 to vector<128x8192xf32>
    %select_n3A_39 = arith.select %eq3A_29, %broadcast_in_dim3A_38, %sub3A : vector<128x8192xi1>, vector<128x8192xf32>
    %reduce_min3A_40 = arith.constant dense<0x7F800000> : vector<128xf32>
    %reduce_min3A_41 = vector.multi_reduction <minimumf>, %select_n3A_39, %reduce_min3A_40 [1] : vector<128x8192xf32> to vector<128xf32>
    %broadcast_in_dim3A_42 = vector.shape_cast %reduce_min3A_41 : vector<128xf32> to vector<128x1xf32>
    %eq3A_43 = vector.broadcast %broadcast_in_dim3A_42 : vector<128x1xf32> to vector<128x8192xf32>
    %eq3A_44 = arith.cmpf oeq, %select_n3A_39, %eq3A_43 : vector<128x8192xf32>
    %jit3A_45 = arith.constant 1.638400e+04 : f32
    %broadcast_in_dim3A_46 = vector.broadcast %jit3A_45 : f32 to vector<128x8192xf32>
    %select_n3A_47 = arith.select %eq3A_44, %convert_element_type3A, %broadcast_in_dim3A_46 : vector<128x8192xi1>, vector<128x8192xf32>
    %reduce_min3A_48 = arith.constant dense<0x7F800000> : vector<128xf32>
    %reduce_min3A_49 = vector.multi_reduction <minimumf>, %select_n3A_47, %reduce_min3A_48 [1] : vector<128x8192xf32> to vector<128xf32>
    %broadcast_in_dim3A_50 = vector.shape_cast %reduce_min3A_49 : vector<128xf32> to vector<128x1xf32>
    %eq3A_51 = vector.broadcast %broadcast_in_dim3A_50 : vector<128x1xf32> to vector<128x8192xf32>
    %eq3A_52 = arith.cmpf oeq, %convert_element_type3A, %eq3A_51 : vector<128x8192xf32>
    %jit3A_53 = arith.constant 1.000000e+00 : f32
    %jit3A_54 = arith.constant 0.000000e+00 : f32
    %broadcast_in_dim3A_55 = vector.broadcast %jit3A_53 : f32 to vector<128x8192xf32>
    %broadcast_in_dim3A_56 = vector.broadcast %jit3A_54 : f32 to vector<128x8192xf32>
    %select_n3A_57 = arith.select %eq3A_52, %broadcast_in_dim3A_55, %broadcast_in_dim3A_56 : vector<128x8192xi1>, vector<128x8192xf32>
    %dot_general3A_58 = arith.constant dense<0.000000e+00> : vector<128x3xf32>
    %dot_general3A_59 = tpu.matmul %select_n3A_57, %get3A_21, %dot_general3A_58 {dimension_numbers = #tpu.dot_dimension_numbers<[1], [0], [0], [1], [0, 0, 1, 1], [], []>, transpose_lhs_hint = false} : vector<128x8192xf32>, vector<8192x3xf32>, vector<128x3xf32> -> vector<128x3xf32>
    %jit3A_60 = arith.constant 0x7F800000 : f32
    %broadcast_in_dim3A_61 = vector.broadcast %jit3A_60 : f32 to vector<128x8192xf32>
    %select_n3A_62 = arith.select %eq3A_52, %broadcast_in_dim3A_61, %select_n3A_39 : vector<128x8192xi1>, vector<128x8192xf32>
    %reduce_min3A_63 = arith.constant dense<0x7F800000> : vector<128xf32>
    %reduce_min3A_64 = vector.multi_reduction <minimumf>, %select_n3A_62, %reduce_min3A_63 [1] : vector<128x8192xf32> to vector<128xf32>
    %broadcast_in_dim3A_65 = vector.shape_cast %reduce_min3A_64 : vector<128xf32> to vector<128x1xf32>
    %eq3A_66 = vector.broadcast %broadcast_in_dim3A_65 : vector<128x1xf32> to vector<128x8192xf32>
    %eq3A_67 = arith.cmpf oeq, %select_n3A_62, %eq3A_66 : vector<128x8192xf32>
    %jit3A_68 = arith.constant 1.638400e+04 : f32
    %broadcast_in_dim3A_69 = vector.broadcast %jit3A_68 : f32 to vector<128x8192xf32>
    %select_n3A_70 = arith.select %eq3A_67, %convert_element_type3A, %broadcast_in_dim3A_69 : vector<128x8192xi1>, vector<128x8192xf32>
    %reduce_min3A_71 = arith.constant dense<0x7F800000> : vector<128xf32>
    %reduce_min3A_72 = vector.multi_reduction <minimumf>, %select_n3A_70, %reduce_min3A_71 [1] : vector<128x8192xf32> to vector<128xf32>
    %broadcast_in_dim3A_73 = vector.shape_cast %reduce_min3A_72 : vector<128xf32> to vector<128x1xf32>
    %eq3A_74 = vector.broadcast %broadcast_in_dim3A_73 : vector<128x1xf32> to vector<128x8192xf32>
    %eq3A_75 = arith.cmpf oeq, %convert_element_type3A, %eq3A_74 : vector<128x8192xf32>
    %jit3A_76 = arith.constant 1.000000e+00 : f32
    %jit3A_77 = arith.constant 0.000000e+00 : f32
    %broadcast_in_dim3A_78 = vector.broadcast %jit3A_76 : f32 to vector<128x8192xf32>
    %broadcast_in_dim3A_79 = vector.broadcast %jit3A_77 : f32 to vector<128x8192xf32>
    %select_n3A_80 = arith.select %eq3A_75, %broadcast_in_dim3A_78, %broadcast_in_dim3A_79 : vector<128x8192xi1>, vector<128x8192xf32>
    %dot_general3A_81 = arith.constant dense<0.000000e+00> : vector<128x3xf32>
    %dot_general3A_82 = tpu.matmul %select_n3A_80, %get3A_21, %dot_general3A_81 {dimension_numbers = #tpu.dot_dimension_numbers<[1], [0], [0], [1], [0, 0, 1, 1], [], []>, transpose_lhs_hint = false} : vector<128x8192xf32>, vector<8192x3xf32>, vector<128x3xf32> -> vector<128x3xf32>
    %get3A_83 = arith.constant 0 : index
    %get3A_84 = arith.constant 0 : index
    %get3A_85 = vector.load %arg3[%get3A_83, %get3A_84] : memref<128x1xi32, #tpu.memory_space<vmem>>, vector<128x1xi32>
    %ne3A = arith.constant 1 : i32
    %ne3A_86 = vector.broadcast %ne3A : i32 to vector<128x1xi32>
    %ne3A_87 = arith.cmpi ne, %get3A_85, %ne3A_86 : vector<128x1xi32>
    %broadcast_in_dim3A_88 = vector.shape_cast %ne3A_87 : vector<128x1xi1> to vector<128x1xi1>
    %broadcast_in_dim3A_89 = vector.broadcast %broadcast_in_dim3A_88 : vector<128x1xi1> to vector<128x3xi1>
    %select_n3A_90 = arith.select %broadcast_in_dim3A_89, %dot_general3A_59, %dot_general3A_36 : vector<128x3xi1>, vector<128x3xf32>
    %broadcast_in_dim3A_91 = vector.shape_cast %ne3A_87 : vector<128x1xi1> to vector<128x1xi1>
    %broadcast_in_dim3A_92 = vector.broadcast %broadcast_in_dim3A_91 : vector<128x1xi1> to vector<128x3xi1>
    %select_n3A_93 = arith.select %broadcast_in_dim3A_92, %dot_general3A_82, %dot_general3A_59 : vector<128x3xi1>, vector<128x3xf32>
    %sub3A_94 = arith.subf %select_n3A_90, %get3A_2 : vector<128x3xf32>
    %sub3A_95 = arith.subf %select_n3A_93, %get3A_2 : vector<128x3xf32>
    %mul3A_96 = arith.mulf %sub3A_94, %sub3A_94 : vector<128x3xf32>
    %reduce_sum3A = arith.constant dense<0.000000e+00> : vector<128xf32>
    %reduce_sum3A_97 = vector.multi_reduction <add>, %mul3A_96, %reduce_sum3A [1] : vector<128x3xf32> to vector<128xf32>
    %broadcast_in_dim3A_98 = vector.shape_cast %reduce_sum3A_97 : vector<128xf32> to vector<128x1xf32>
    %sqrt3A = math.sqrt %broadcast_in_dim3A_98 : vector<128x1xf32>
    %mul3A_99 = arith.mulf %sub3A_95, %sub3A_95 : vector<128x3xf32>
    %reduce_sum3A_100 = arith.constant dense<0.000000e+00> : vector<128xf32>
    %reduce_sum3A_101 = vector.multi_reduction <add>, %mul3A_99, %reduce_sum3A_100 [1] : vector<128x3xf32> to vector<128xf32>
    %broadcast_in_dim3A_102 = vector.shape_cast %reduce_sum3A_101 : vector<128xf32> to vector<128x1xf32>
    %sqrt3A_103 = math.sqrt %broadcast_in_dim3A_102 : vector<128x1xf32>
    %sub3A_104 = arith.subf %sqrt3A, %sqrt3A_103 : vector<128x1xf32>
    %le3A = arith.constant 0.000000e+00 : f32
    %le3A_105 = vector.broadcast %le3A : f32 to vector<128x1xf32>
    %le3A_106 = arith.cmpf ole, %sub3A_104, %le3A_105 : vector<128x1xf32>
    %broadcast_in_dim3A_107 = vector.shape_cast %le3A_106 : vector<128x1xi1> to vector<128x1xi1>
    %broadcast_in_dim3A_108 = vector.broadcast %broadcast_in_dim3A_107 : vector<128x1xi1> to vector<128x3xi1>
    %select_n3A_109 = arith.select %broadcast_in_dim3A_108, %sub3A_94, %sub3A_95 : vector<128x3xi1>, vector<128x3xf32>
    %broadcast_in_dim3A_110 = vector.shape_cast %le3A_106 : vector<128x1xi1> to vector<128x1xi1>
    %broadcast_in_dim3A_111 = vector.broadcast %broadcast_in_dim3A_110 : vector<128x1xi1> to vector<128x3xi1>
    %select_n3A_112 = arith.select %broadcast_in_dim3A_111, %sub3A_95, %sub3A_94 : vector<128x3xi1>, vector<128x3xf32>
    %mul3A_113 = arith.mulf %select_n3A_109, %select_n3A_109 : vector<128x3xf32>
    %reduce_sum3A_114 = arith.constant dense<0.000000e+00> : vector<128xf32>
    %reduce_sum3A_115 = vector.multi_reduction <add>, %mul3A_113, %reduce_sum3A_114 [1] : vector<128x3xf32> to vector<128xf32>
    %broadcast_in_dim3A_116 = vector.shape_cast %reduce_sum3A_115 : vector<128xf32> to vector<128x1xf32>
    %sqrt3A_117 = math.sqrt %broadcast_in_dim3A_116 : vector<128x1xf32>
    %div3A = vector.broadcast %sqrt3A_117 : vector<128x1xf32> to vector<128x3xf32>
    %div3A_118 = arith.divf %select_n3A_109, %div3A : vector<128x3xf32>
    %mul3A_119 = arith.mulf %select_n3A_112, %div3A_118 : vector<128x3xf32>
    %reduce_sum3A_120 = arith.constant dense<0.000000e+00> : vector<128xf32>
    %reduce_sum3A_121 = vector.multi_reduction <add>, %mul3A_119, %reduce_sum3A_120 [1] : vector<128x3xf32> to vector<128xf32>
    %broadcast_in_dim3A_122 = vector.shape_cast %reduce_sum3A_121 : vector<128xf32> to vector<128x1xf32>
    %mul3A_123 = vector.broadcast %broadcast_in_dim3A_122 : vector<128x1xf32> to vector<128x3xf32>
    %mul3A_124 = arith.mulf %mul3A_123, %div3A_118 : vector<128x3xf32>
    %sub3A_125 = arith.subf %select_n3A_112, %mul3A_124 : vector<128x3xf32>
    %mul3A_126 = arith.mulf %sub3A_125, %sub3A_125 : vector<128x3xf32>
    %reduce_sum3A_127 = arith.constant dense<0.000000e+00> : vector<128xf32>
    %reduce_sum3A_128 = vector.multi_reduction <add>, %mul3A_126, %reduce_sum3A_127 [1] : vector<128x3xf32> to vector<128xf32>
    %broadcast_in_dim3A_129 = vector.shape_cast %reduce_sum3A_128 : vector<128xf32> to vector<128x1xf32>
    %sqrt3A_130 = math.sqrt %broadcast_in_dim3A_129 : vector<128x1xf32>
    %div3A_131 = vector.broadcast %sqrt3A_130 : vector<128x1xf32> to vector<128x3xf32>
    %div3A_132 = arith.divf %sub3A_125, %div3A_131 : vector<128x3xf32>
    %slice3A_133 = vector.extract_strided_slice %div3A_118 {offsets = [0, 1], sizes = [128, 1], strides = [1, 1]} : vector<128x3xf32> to vector<128x1xf32>
    %slice3A_134 = vector.extract_strided_slice %div3A_132 {offsets = [0, 2], sizes = [128, 1], strides = [1, 1]} : vector<128x3xf32> to vector<128x1xf32>
    %mul3A_135 = arith.mulf %slice3A_133, %slice3A_134 : vector<128x1xf32>
    %slice3A_136 = vector.extract_strided_slice %div3A_118 {offsets = [0, 2], sizes = [128, 1], strides = [1, 1]} : vector<128x3xf32> to vector<128x1xf32>
    %slice3A_137 = vector.extract_strided_slice %div3A_132 {offsets = [0, 1], sizes = [128, 1], strides = [1, 1]} : vector<128x3xf32> to vector<128x1xf32>
    %mul3A_138 = arith.mulf %slice3A_136, %slice3A_137 : vector<128x1xf32>
    %sub3A_139 = arith.subf %mul3A_135, %mul3A_138 : vector<128x1xf32>
    %slice3A_140 = vector.extract_strided_slice %div3A_118 {offsets = [0, 2], sizes = [128, 1], strides = [1, 1]} : vector<128x3xf32> to vector<128x1xf32>
    %slice3A_141 = vector.extract_strided_slice %div3A_132 {offsets = [0, 0], sizes = [128, 1], strides = [1, 1]} : vector<128x3xf32> to vector<128x1xf32>
    %mul3A_142 = arith.mulf %slice3A_140, %slice3A_141 : vector<128x1xf32>
    %slice3A_143 = vector.extract_strided_slice %div3A_118 {offsets = [0, 0], sizes = [128, 1], strides = [1, 1]} : vector<128x3xf32> to vector<128x1xf32>
    %slice3A_144 = vector.extract_strided_slice %div3A_132 {offsets = [0, 2], sizes = [128, 1], strides = [1, 1]} : vector<128x3xf32> to vector<128x1xf32>
    %mul3A_145 = arith.mulf %slice3A_143, %slice3A_144 : vector<128x1xf32>
    %sub3A_146 = arith.subf %mul3A_142, %mul3A_145 : vector<128x1xf32>
    %slice3A_147 = vector.extract_strided_slice %div3A_118 {offsets = [0, 0], sizes = [128, 1], strides = [1, 1]} : vector<128x3xf32> to vector<128x1xf32>
    %slice3A_148 = vector.extract_strided_slice %div3A_132 {offsets = [0, 1], sizes = [128, 1], strides = [1, 1]} : vector<128x3xf32> to vector<128x1xf32>
    %mul3A_149 = arith.mulf %slice3A_147, %slice3A_148 : vector<128x1xf32>
    %slice3A_150 = vector.extract_strided_slice %div3A_118 {offsets = [0, 1], sizes = [128, 1], strides = [1, 1]} : vector<128x3xf32> to vector<128x1xf32>
    %slice3A_151 = vector.extract_strided_slice %div3A_132 {offsets = [0, 0], sizes = [128, 1], strides = [1, 1]} : vector<128x3xf32> to vector<128x1xf32>
    %mul3A_152 = arith.mulf %slice3A_150, %slice3A_151 : vector<128x1xf32>
    %sub3A_153 = arith.subf %mul3A_149, %mul3A_152 : vector<128x1xf32>
    %concatenate3A = tpu.concatenate %sub3A_139, %sub3A_146, %sub3A_153 in 1 : vector<128x1xf32>, vector<128x1xf32>, vector<128x1xf32> -> vector<128x3xf32>
    %get3A_154 = arith.constant 0 : index
    %get3A_155 = arith.constant 0 : index
    %get3A_156 = vector.load %arg4[%get3A_154, %get3A_155] : memref<128x64xf32, #tpu.memory_space<vmem>>, vector<128x64xf32>
    %get3A_157 = arith.constant 0 : index
    %get3A_158 = arith.constant 0 : index
    %get3A_159 = vector.load %arg5[%get3A_157, %get3A_158] : memref<128x64xf32, #tpu.memory_space<vmem>>, vector<128x64xf32>
    %get3A_160 = arith.constant 0 : index
    %get3A_161 = arith.constant 0 : index
    %get3A_162 = vector.load %arg6[%get3A_160, %get3A_161] : memref<128x64xf32, #tpu.memory_space<vmem>>, vector<128x64xf32>
    %slice3A_163 = vector.extract_strided_slice %div3A_118 {offsets = [0, 0], sizes = [128, 1], strides = [1, 1]} : vector<128x3xf32> to vector<128x1xf32>
    %mul3A_164 = vector.broadcast %slice3A_163 : vector<128x1xf32> to vector<128x64xf32>
    %mul3A_165 = arith.mulf %mul3A_164, %get3A_156 : vector<128x64xf32>
    %slice3A_166 = vector.extract_strided_slice %div3A_118 {offsets = [0, 1], sizes = [128, 1], strides = [1, 1]} : vector<128x3xf32> to vector<128x1xf32>
    %mul3A_167 = vector.broadcast %slice3A_166 : vector<128x1xf32> to vector<128x64xf32>
    %mul3A_168 = arith.mulf %mul3A_167, %get3A_159 : vector<128x64xf32>
    %add3A_169 = arith.addf %mul3A_165, %mul3A_168 : vector<128x64xf32>
    %slice3A_170 = vector.extract_strided_slice %div3A_118 {offsets = [0, 2], sizes = [128, 1], strides = [1, 1]} : vector<128x3xf32> to vector<128x1xf32>
    %mul3A_171 = vector.broadcast %slice3A_170 : vector<128x1xf32> to vector<128x64xf32>
    %mul3A_172 = arith.mulf %mul3A_171, %get3A_162 : vector<128x64xf32>
    %add3A_173 = arith.addf %add3A_169, %mul3A_172 : vector<128x64xf32>
    %swap3A = arith.constant 0 : index
    %swap3A_174 = arith.constant 0 : index
    %swap3A_175 = vector.load %arg8[%swap3A, %swap3A_174] : memref<128x64xf32, #tpu.memory_space<vmem>>, vector<128x64xf32>
    tpu.vector_store %arg8[%swap3A, %swap3A_174], %add3A_173 {strides = array<i32>} : memref<128x64xf32, #tpu.memory_space<vmem>>, vector<128x64xf32>,
    %slice3A_176 = vector.extract_strided_slice %div3A_132 {offsets = [0, 0], sizes = [128, 1], strides = [1, 1]} : vector<128x3xf32> to vector<128x1xf32>
    %mul3A_177 = vector.broadcast %slice3A_176 : vector<128x1xf32> to vector<128x64xf32>
    %mul3A_178 = arith.mulf %mul3A_177, %get3A_156 : vector<128x64xf32>
    %slice3A_179 = vector.extract_strided_slice %div3A_132 {offsets = [0, 1], sizes = [128, 1], strides = [1, 1]} : vector<128x3xf32> to vector<128x1xf32>
    %mul3A_180 = vector.broadcast %slice3A_179 : vector<128x1xf32> to vector<128x64xf32>
    %mul3A_181 = arith.mulf %mul3A_180, %get3A_159 : vector<128x64xf32>
    %add3A_182 = arith.addf %mul3A_178, %mul3A_181 : vector<128x64xf32>
    %slice3A_183 = vector.extract_strided_slice %div3A_132 {offsets = [0, 2], sizes = [128, 1], strides = [1, 1]} : vector<128x3xf32> to vector<128x1xf32>
    %mul3A_184 = vector.broadcast %slice3A_183 : vector<128x1xf32> to vector<128x64xf32>
    %mul3A_185 = arith.mulf %mul3A_184, %get3A_162 : vector<128x64xf32>
    %add3A_186 = arith.addf %add3A_182, %mul3A_185 : vector<128x64xf32>
    %swap3A_187 = arith.constant 0 : index
    %swap3A_188 = arith.constant 0 : index
    %swap3A_189 = vector.load %arg9[%swap3A_187, %swap3A_188] : memref<128x64xf32, #tpu.memory_space<vmem>>, vector<128x64xf32>
    tpu.vector_store %arg9[%swap3A_187, %swap3A_188], %add3A_186 {strides = array<i32>} : memref<128x64xf32, #tpu.memory_space<vmem>>, vector<128x64xf32>,
    %slice3A_190 = vector.extract_strided_slice %concatenate3A {offsets = [0, 0], sizes = [128, 1], strides = [1, 1]} : vector<128x3xf32> to vector<128x1xf32>
    %mul3A_191 = vector.broadcast %slice3A_190 : vector<128x1xf32> to vector<128x64xf32>
    %mul3A_192 = arith.mulf %mul3A_191, %get3A_156 : vector<128x64xf32>
    %slice3A_193 = vector.extract_strided_slice %concatenate3A {offsets = [0, 1], sizes = [128, 1], strides = [1, 1]} : vector<128x3xf32> to vector<128x1xf32>
    %mul3A_194 = vector.broadcast %slice3A_193 : vector<128x1xf32> to vector<128x64xf32>
    %mul3A_195 = arith.mulf %mul3A_194, %get3A_159 : vector<128x64xf32>
    %add3A_196 = arith.addf %mul3A_192, %mul3A_195 : vector<128x64xf32>
    %slice3A_197 = vector.extract_strided_slice %concatenate3A {offsets = [0, 2], sizes = [128, 1], strides = [1, 1]} : vector<128x3xf32> to vector<128x1xf32>
    %mul3A_198 = vector.broadcast %slice3A_197 : vector<128x1xf32> to vector<128x64xf32>
    %mul3A_199 = arith.mulf %mul3A_198, %get3A_162 : vector<128x64xf32>
    %add3A_200 = arith.addf %add3A_196, %mul3A_199 : vector<128x64xf32>
    %swap3A_201 = arith.constant 0 : index
    %swap3A_202 = arith.constant 0 : index
    %swap3A_203 = vector.load %arg10[%swap3A_201, %swap3A_202] : memref<128x64xf32, #tpu.memory_space<vmem>>, vector<128x64xf32>
    tpu.vector_store %arg10[%swap3A_201, %swap3A_202], %add3A_200 {strides = array<i32>} : memref<128x64xf32, #tpu.memory_space<vmem>>, vector<128x64xf32>,
    return
  }
  func.func @transform_0(%arg0: i32) -> (i32, i32) {
    %c0_i32 = arith.constant 0 : i32
    %c0_i32_0 = arith.constant 0 : i32
    %c0_i32_1 = arith.constant 0 : i32
    return %c0_i32, %c0_i32_0 : i32, i32
  }
  func.func @transform_1(%arg0: i32) -> (i32, i32) {
    %c0_i32 = arith.constant 0 : i32
    %c0_i32_0 = arith.constant 0 : i32
    %c0_i32_1 = arith.constant 0 : i32
    return %c0_i32, %c0_i32_0 : i32, i32
  }
  func.func @transform_2(%arg0: i32) -> (i32, i32) {
    %c0_i32 = arith.constant 0 : i32
    %c0_i32_0 = arith.constant 0 : i32
    return %arg0, %c0_i32 : i32, i32
  }
  func.func @transform_3(%arg0: i32) -> (i32, i32) {
    %c0_i32 = arith.constant 0 : i32
    %c0_i32_0 = arith.constant 0 : i32
    return %arg0, %c0_i32 : i32, i32
  }
  func.func @transform_4(%arg0: i32) -> (i32, i32) {
    %c0_i32 = arith.constant 0 : i32
    %c0_i32_0 = arith.constant 0 : i32
    return %arg0, %c0_i32 : i32, i32
  }
  func.func @transform_5(%arg0: i32) -> (i32, i32) {
    %c0_i32 = arith.constant 0 : i32
    %c0_i32_0 = arith.constant 0 : i32
    return %arg0, %c0_i32 : i32, i32
  }
  func.func @transform_6(%arg0: i32) -> (i32, i32) {
    %c0_i32 = arith.constant 0 : i32
    %c0_i32_0 = arith.constant 0 : i32
    %c0_i32_1 = arith.constant 0 : i32
    return %c0_i32, %c0_i32_0 : i32, i32
  }
  func.func @transform_7(%arg0: i32) -> (i32, i32) {
    %c0_i32 = arith.constant 0 : i32
    %c0_i32_0 = arith.constant 0 : i32
    return %arg0, %c0_i32 : i32, i32
  }
  func.func @transform_8(%arg0: i32) -> (i32, i32) {
    %c0_i32 = arith.constant 0 : i32
    %c0_i32_0 = arith.constant 0 : i32
    return %arg0, %c0_i32 : i32, i32
  }
  func.func @transform_9(%arg0: i32) -> (i32, i32) {
    %c0_i32 = arith.constant 0 : i32
    %c0_i32_0 = arith.constant 0 : i32
    return %arg0, %c0_i32 : i32, i32
  }
}

module attributes {stable_mosaic.version = 14 : i64} {
  func.func @_tc_epi_body(%arg0: i32, %arg1: memref<128x1xf32, #tpu.memory_space<vmem>>, %arg2: memref<128x1xf32, #tpu.memory_space<vmem>>, %arg3: memref<128x1xf32, #tpu.memory_space<vmem>>, %arg4: memref<128x1xi32, #tpu.memory_space<vmem>>, %arg5: memref<128x64xf32, #tpu.memory_space<vmem>>, %arg6: memref<128x64xf32, #tpu.memory_space<vmem>>, %arg7: memref<128x64xf32, #tpu.memory_space<vmem>>, %arg8: memref<8192x3xf32, #tpu.memory_space<vmem>>, %arg9: memref<128x64xf32, #tpu.memory_space<vmem>>, %arg10: memref<128x64xf32, #tpu.memory_space<vmem>>, %arg11: memref<128x64xf32, #tpu.memory_space<vmem>>) attributes {dimension_semantics = [#tpu.dimension_semantics<arbitrary>], iteration_bounds = array<i64: 20>, scalar_prefetch = 0 : i64, scratch_operands = 0 : i64, tpu.core_type = #tpu.core_type<tc>, window_params = [{transform_indices = @transform_0, window_bounds = array<i64: 128, 1>}, {transform_indices = @transform_1, window_bounds = array<i64: 128, 1>}, {transform_indices = @transform_2, window_bounds = array<i64: 128, 1>}, {transform_indices = @transform_3, window_bounds = array<i64: 128, 1>}, {transform_indices = @transform_4, window_bounds = array<i64: 128, 64>}, {transform_indices = @transform_5, window_bounds = array<i64: 128, 64>}, {transform_indices = @transform_6, window_bounds = array<i64: 128, 64>}, {pipeline_mode = #tpu.pipeline_mode<synchronous>, transform_indices = @transform_7, window_bounds = array<i64: 8192, 3>}, {transform_indices = @transform_8, window_bounds = array<i64: 128, 64>}, {transform_indices = @transform_9, window_bounds = array<i64: 128, 64>}, {transform_indices = @transform_10, window_bounds = array<i64: 128, 64>}]} {
    %mul3A = arith.constant 128 : i32
    %mul3A_0 = arith.muli %arg0, %mul3A : i32
    %add3A = arith.constant 5632 : i32
    %add3A_1 = arith.addi %add3A, %mul3A_0 : i32
    %get3A = arith.index_cast %add3A_1 : i32 to index
    %get3A_2 = arith.constant 0 : index
    %get3A_3 = vector.load %arg8[%get3A, %get3A_2] : memref<8192x3xf32, #tpu.memory_space<vmem>>, vector<128x3xf32>
    %get3A_4 = arith.constant 0 : index
    %get3A_5 = arith.constant 0 : index
    %get3A_6 = vector.load %arg8[%get3A_4, %get3A_5] : memref<8192x3xf32, #tpu.memory_space<vmem>>, vector<8192x3xf32>
    %iota3A = tpu.iota {dimensions = array<i32: 1>} : vector<128x8192xi32>
    %convert_element_type3A = arith.sitofp %iota3A : vector<128x8192xi32> to vector<128x8192xf32>
    %get3A_7 = arith.constant 0 : index
    %get3A_8 = arith.constant 0 : index
    %get3A_9 = vector.load %arg4[%get3A_7, %get3A_8] : memref<128x1xi32, #tpu.memory_space<vmem>>, vector<128x1xi32>
    %ne3A = arith.constant 1 : i32
    %ne3A_10 = vector.broadcast %ne3A : i32 to vector<128x1xi32>
    %ne3A_11 = arith.cmpi ne, %get3A_9, %ne3A_10 : vector<128x1xi32>
    %get3A_12 = arith.constant 0 : index
    %get3A_13 = arith.constant 0 : index
    %get3A_14 = vector.load %arg2[%get3A_12, %get3A_13] : memref<128x1xf32, #tpu.memory_space<vmem>>, vector<128x1xf32>
    %get3A_15 = arith.constant 0 : index
    %get3A_16 = arith.constant 0 : index
    %get3A_17 = vector.load %arg1[%get3A_15, %get3A_16] : memref<128x1xf32, #tpu.memory_space<vmem>>, vector<128x1xf32>
    %select_n3A = arith.select %ne3A_11, %get3A_14, %get3A_17 : vector<128x1xi1>, vector<128x1xf32>
    %get3A_18 = arith.constant 0 : index
    %get3A_19 = arith.constant 0 : index
    %get3A_20 = vector.load %arg3[%get3A_18, %get3A_19] : memref<128x1xf32, #tpu.memory_space<vmem>>, vector<128x1xf32>
    %get3A_21 = arith.constant 0 : index
    %get3A_22 = arith.constant 0 : index
    %get3A_23 = vector.load %arg2[%get3A_21, %get3A_22] : memref<128x1xf32, #tpu.memory_space<vmem>>, vector<128x1xf32>
    %select_n3A_24 = arith.select %ne3A_11, %get3A_20, %get3A_23 : vector<128x1xi1>, vector<128x1xf32>
    %eq3A = vector.broadcast %select_n3A : vector<128x1xf32> to vector<128x8192xf32>
    %eq3A_25 = arith.cmpf oeq, %convert_element_type3A, %eq3A : vector<128x8192xf32>
    %jit3A = arith.constant 1.000000e+00 : f32
    %jit3A_26 = arith.constant 0.000000e+00 : f32
    %broadcast_in_dim3A = vector.broadcast %jit3A : f32 to vector<128x8192xf32>
    %broadcast_in_dim3A_27 = vector.broadcast %jit3A_26 : f32 to vector<128x8192xf32>
    %select_n3A_28 = arith.select %eq3A_25, %broadcast_in_dim3A, %broadcast_in_dim3A_27 : vector<128x8192xi1>, vector<128x8192xf32>
    %dot_general3A = arith.constant dense<0.000000e+00> : vector<128x3xf32>
    %dot_general3A_29 = tpu.matmul %select_n3A_28, %get3A_6, %dot_general3A {dimension_numbers = #tpu.dot_dimension_numbers<[1], [0], [0], [1], [0, 0, 1, 1], [], []>, transpose_lhs_hint = false} : vector<128x8192xf32>, vector<8192x3xf32>, vector<128x3xf32> -> vector<128x3xf32>
    %eq3A_30 = vector.broadcast %select_n3A_24 : vector<128x1xf32> to vector<128x8192xf32>
    %eq3A_31 = arith.cmpf oeq, %convert_element_type3A, %eq3A_30 : vector<128x8192xf32>
    %jit3A_32 = arith.constant 1.000000e+00 : f32
    %jit3A_33 = arith.constant 0.000000e+00 : f32
    %broadcast_in_dim3A_34 = vector.broadcast %jit3A_32 : f32 to vector<128x8192xf32>
    %broadcast_in_dim3A_35 = vector.broadcast %jit3A_33 : f32 to vector<128x8192xf32>
    %select_n3A_36 = arith.select %eq3A_31, %broadcast_in_dim3A_34, %broadcast_in_dim3A_35 : vector<128x8192xi1>, vector<128x8192xf32>
    %dot_general3A_37 = arith.constant dense<0.000000e+00> : vector<128x3xf32>
    %dot_general3A_38 = tpu.matmul %select_n3A_36, %get3A_6, %dot_general3A_37 {dimension_numbers = #tpu.dot_dimension_numbers<[1], [0], [0], [1], [0, 0, 1, 1], [], []>, transpose_lhs_hint = false} : vector<128x8192xf32>, vector<8192x3xf32>, vector<128x3xf32> -> vector<128x3xf32>
    %sub3A = arith.subf %dot_general3A_29, %get3A_3 : vector<128x3xf32>
    %sub3A_39 = arith.subf %dot_general3A_38, %get3A_3 : vector<128x3xf32>
    %mul3A_40 = arith.mulf %sub3A, %sub3A : vector<128x3xf32>
    %reduce_sum3A = arith.constant dense<0.000000e+00> : vector<128xf32>
    %reduce_sum3A_41 = vector.multi_reduction <add>, %mul3A_40, %reduce_sum3A [1] : vector<128x3xf32> to vector<128xf32>
    %broadcast_in_dim3A_42 = vector.shape_cast %reduce_sum3A_41 : vector<128xf32> to vector<128x1xf32>
    %sqrt3A = math.sqrt %broadcast_in_dim3A_42 : vector<128x1xf32>
    %mul3A_43 = arith.mulf %sub3A_39, %sub3A_39 : vector<128x3xf32>
    %reduce_sum3A_44 = arith.constant dense<0.000000e+00> : vector<128xf32>
    %reduce_sum3A_45 = vector.multi_reduction <add>, %mul3A_43, %reduce_sum3A_44 [1] : vector<128x3xf32> to vector<128xf32>
    %broadcast_in_dim3A_46 = vector.shape_cast %reduce_sum3A_45 : vector<128xf32> to vector<128x1xf32>
    %sqrt3A_47 = math.sqrt %broadcast_in_dim3A_46 : vector<128x1xf32>
    %sub3A_48 = arith.subf %sqrt3A, %sqrt3A_47 : vector<128x1xf32>
    %le3A = arith.constant 0.000000e+00 : f32
    %le3A_49 = vector.broadcast %le3A : f32 to vector<128x1xf32>
    %le3A_50 = arith.cmpf ole, %sub3A_48, %le3A_49 : vector<128x1xf32>
    %broadcast_in_dim3A_51 = vector.shape_cast %le3A_50 : vector<128x1xi1> to vector<128x1xi1>
    %broadcast_in_dim3A_52 = vector.broadcast %broadcast_in_dim3A_51 : vector<128x1xi1> to vector<128x3xi1>
    %select_n3A_53 = arith.select %broadcast_in_dim3A_52, %sub3A, %sub3A_39 : vector<128x3xi1>, vector<128x3xf32>
    %broadcast_in_dim3A_54 = vector.shape_cast %le3A_50 : vector<128x1xi1> to vector<128x1xi1>
    %broadcast_in_dim3A_55 = vector.broadcast %broadcast_in_dim3A_54 : vector<128x1xi1> to vector<128x3xi1>
    %select_n3A_56 = arith.select %broadcast_in_dim3A_55, %sub3A_39, %sub3A : vector<128x3xi1>, vector<128x3xf32>
    %mul3A_57 = arith.mulf %select_n3A_53, %select_n3A_53 : vector<128x3xf32>
    %reduce_sum3A_58 = arith.constant dense<0.000000e+00> : vector<128xf32>
    %reduce_sum3A_59 = vector.multi_reduction <add>, %mul3A_57, %reduce_sum3A_58 [1] : vector<128x3xf32> to vector<128xf32>
    %broadcast_in_dim3A_60 = vector.shape_cast %reduce_sum3A_59 : vector<128xf32> to vector<128x1xf32>
    %sqrt3A_61 = math.sqrt %broadcast_in_dim3A_60 : vector<128x1xf32>
    %div3A = vector.broadcast %sqrt3A_61 : vector<128x1xf32> to vector<128x3xf32>
    %div3A_62 = arith.divf %select_n3A_53, %div3A : vector<128x3xf32>
    %mul3A_63 = arith.mulf %select_n3A_56, %div3A_62 : vector<128x3xf32>
    %reduce_sum3A_64 = arith.constant dense<0.000000e+00> : vector<128xf32>
    %reduce_sum3A_65 = vector.multi_reduction <add>, %mul3A_63, %reduce_sum3A_64 [1] : vector<128x3xf32> to vector<128xf32>
    %broadcast_in_dim3A_66 = vector.shape_cast %reduce_sum3A_65 : vector<128xf32> to vector<128x1xf32>
    %mul3A_67 = vector.broadcast %broadcast_in_dim3A_66 : vector<128x1xf32> to vector<128x3xf32>
    %mul3A_68 = arith.mulf %mul3A_67, %div3A_62 : vector<128x3xf32>
    %sub3A_69 = arith.subf %select_n3A_56, %mul3A_68 : vector<128x3xf32>
    %mul3A_70 = arith.mulf %sub3A_69, %sub3A_69 : vector<128x3xf32>
    %reduce_sum3A_71 = arith.constant dense<0.000000e+00> : vector<128xf32>
    %reduce_sum3A_72 = vector.multi_reduction <add>, %mul3A_70, %reduce_sum3A_71 [1] : vector<128x3xf32> to vector<128xf32>
    %broadcast_in_dim3A_73 = vector.shape_cast %reduce_sum3A_72 : vector<128xf32> to vector<128x1xf32>
    %sqrt3A_74 = math.sqrt %broadcast_in_dim3A_73 : vector<128x1xf32>
    %div3A_75 = vector.broadcast %sqrt3A_74 : vector<128x1xf32> to vector<128x3xf32>
    %div3A_76 = arith.divf %sub3A_69, %div3A_75 : vector<128x3xf32>
    %slice3A = vector.extract_strided_slice %div3A_62 {offsets = [0, 1], sizes = [128, 1], strides = [1, 1]} : vector<128x3xf32> to vector<128x1xf32>
    %slice3A_77 = vector.extract_strided_slice %div3A_76 {offsets = [0, 2], sizes = [128, 1], strides = [1, 1]} : vector<128x3xf32> to vector<128x1xf32>
    %mul3A_78 = arith.mulf %slice3A, %slice3A_77 : vector<128x1xf32>
    %slice3A_79 = vector.extract_strided_slice %div3A_62 {offsets = [0, 2], sizes = [128, 1], strides = [1, 1]} : vector<128x3xf32> to vector<128x1xf32>
    %slice3A_80 = vector.extract_strided_slice %div3A_76 {offsets = [0, 1], sizes = [128, 1], strides = [1, 1]} : vector<128x3xf32> to vector<128x1xf32>
    %mul3A_81 = arith.mulf %slice3A_79, %slice3A_80 : vector<128x1xf32>
    %sub3A_82 = arith.subf %mul3A_78, %mul3A_81 : vector<128x1xf32>
    %slice3A_83 = vector.extract_strided_slice %div3A_62 {offsets = [0, 2], sizes = [128, 1], strides = [1, 1]} : vector<128x3xf32> to vector<128x1xf32>
    %slice3A_84 = vector.extract_strided_slice %div3A_76 {offsets = [0, 0], sizes = [128, 1], strides = [1, 1]} : vector<128x3xf32> to vector<128x1xf32>
    %mul3A_85 = arith.mulf %slice3A_83, %slice3A_84 : vector<128x1xf32>
    %slice3A_86 = vector.extract_strided_slice %div3A_62 {offsets = [0, 0], sizes = [128, 1], strides = [1, 1]} : vector<128x3xf32> to vector<128x1xf32>
    %slice3A_87 = vector.extract_strided_slice %div3A_76 {offsets = [0, 2], sizes = [128, 1], strides = [1, 1]} : vector<128x3xf32> to vector<128x1xf32>
    %mul3A_88 = arith.mulf %slice3A_86, %slice3A_87 : vector<128x1xf32>
    %sub3A_89 = arith.subf %mul3A_85, %mul3A_88 : vector<128x1xf32>
    %slice3A_90 = vector.extract_strided_slice %div3A_62 {offsets = [0, 0], sizes = [128, 1], strides = [1, 1]} : vector<128x3xf32> to vector<128x1xf32>
    %slice3A_91 = vector.extract_strided_slice %div3A_76 {offsets = [0, 1], sizes = [128, 1], strides = [1, 1]} : vector<128x3xf32> to vector<128x1xf32>
    %mul3A_92 = arith.mulf %slice3A_90, %slice3A_91 : vector<128x1xf32>
    %slice3A_93 = vector.extract_strided_slice %div3A_62 {offsets = [0, 1], sizes = [128, 1], strides = [1, 1]} : vector<128x3xf32> to vector<128x1xf32>
    %slice3A_94 = vector.extract_strided_slice %div3A_76 {offsets = [0, 0], sizes = [128, 1], strides = [1, 1]} : vector<128x3xf32> to vector<128x1xf32>
    %mul3A_95 = arith.mulf %slice3A_93, %slice3A_94 : vector<128x1xf32>
    %sub3A_96 = arith.subf %mul3A_92, %mul3A_95 : vector<128x1xf32>
    %concatenate3A = tpu.concatenate %sub3A_82, %sub3A_89, %sub3A_96 in 1 : vector<128x1xf32>, vector<128x1xf32>, vector<128x1xf32> -> vector<128x3xf32>
    %get3A_97 = arith.constant 0 : index
    %get3A_98 = arith.constant 0 : index
    %get3A_99 = vector.load %arg5[%get3A_97, %get3A_98] : memref<128x64xf32, #tpu.memory_space<vmem>>, vector<128x64xf32>
    %get3A_100 = arith.constant 0 : index
    %get3A_101 = arith.constant 0 : index
    %get3A_102 = vector.load %arg6[%get3A_100, %get3A_101] : memref<128x64xf32, #tpu.memory_space<vmem>>, vector<128x64xf32>
    %get3A_103 = arith.constant 0 : index
    %get3A_104 = arith.constant 0 : index
    %get3A_105 = vector.load %arg7[%get3A_103, %get3A_104] : memref<128x64xf32, #tpu.memory_space<vmem>>, vector<128x64xf32>
    %slice3A_106 = vector.extract_strided_slice %div3A_62 {offsets = [0, 0], sizes = [128, 1], strides = [1, 1]} : vector<128x3xf32> to vector<128x1xf32>
    %mul3A_107 = vector.broadcast %slice3A_106 : vector<128x1xf32> to vector<128x64xf32>
    %mul3A_108 = arith.mulf %mul3A_107, %get3A_99 : vector<128x64xf32>
    %slice3A_109 = vector.extract_strided_slice %div3A_62 {offsets = [0, 1], sizes = [128, 1], strides = [1, 1]} : vector<128x3xf32> to vector<128x1xf32>
    %mul3A_110 = vector.broadcast %slice3A_109 : vector<128x1xf32> to vector<128x64xf32>
    %mul3A_111 = arith.mulf %mul3A_110, %get3A_102 : vector<128x64xf32>
    %add3A_112 = arith.addf %mul3A_108, %mul3A_111 : vector<128x64xf32>
    %slice3A_113 = vector.extract_strided_slice %div3A_62 {offsets = [0, 2], sizes = [128, 1], strides = [1, 1]} : vector<128x3xf32> to vector<128x1xf32>
    %mul3A_114 = vector.broadcast %slice3A_113 : vector<128x1xf32> to vector<128x64xf32>
    %mul3A_115 = arith.mulf %mul3A_114, %get3A_105 : vector<128x64xf32>
    %add3A_116 = arith.addf %add3A_112, %mul3A_115 : vector<128x64xf32>
    %swap3A = arith.constant 0 : index
    %swap3A_117 = arith.constant 0 : index
    %swap3A_118 = vector.load %arg9[%swap3A, %swap3A_117] : memref<128x64xf32, #tpu.memory_space<vmem>>, vector<128x64xf32>
    tpu.vector_store %arg9[%swap3A, %swap3A_117], %add3A_116 {strides = array<i32>} : memref<128x64xf32, #tpu.memory_space<vmem>>, vector<128x64xf32>,
    %slice3A_119 = vector.extract_strided_slice %div3A_76 {offsets = [0, 0], sizes = [128, 1], strides = [1, 1]} : vector<128x3xf32> to vector<128x1xf32>
    %mul3A_120 = vector.broadcast %slice3A_119 : vector<128x1xf32> to vector<128x64xf32>
    %mul3A_121 = arith.mulf %mul3A_120, %get3A_99 : vector<128x64xf32>
    %slice3A_122 = vector.extract_strided_slice %div3A_76 {offsets = [0, 1], sizes = [128, 1], strides = [1, 1]} : vector<128x3xf32> to vector<128x1xf32>
    %mul3A_123 = vector.broadcast %slice3A_122 : vector<128x1xf32> to vector<128x64xf32>
    %mul3A_124 = arith.mulf %mul3A_123, %get3A_102 : vector<128x64xf32>
    %add3A_125 = arith.addf %mul3A_121, %mul3A_124 : vector<128x64xf32>
    %slice3A_126 = vector.extract_strided_slice %div3A_76 {offsets = [0, 2], sizes = [128, 1], strides = [1, 1]} : vector<128x3xf32> to vector<128x1xf32>
    %mul3A_127 = vector.broadcast %slice3A_126 : vector<128x1xf32> to vector<128x64xf32>
    %mul3A_128 = arith.mulf %mul3A_127, %get3A_105 : vector<128x64xf32>
    %add3A_129 = arith.addf %add3A_125, %mul3A_128 : vector<128x64xf32>
    %swap3A_130 = arith.constant 0 : index
    %swap3A_131 = arith.constant 0 : index
    %swap3A_132 = vector.load %arg10[%swap3A_130, %swap3A_131] : memref<128x64xf32, #tpu.memory_space<vmem>>, vector<128x64xf32>
    tpu.vector_store %arg10[%swap3A_130, %swap3A_131], %add3A_129 {strides = array<i32>} : memref<128x64xf32, #tpu.memory_space<vmem>>, vector<128x64xf32>,
    %slice3A_133 = vector.extract_strided_slice %concatenate3A {offsets = [0, 0], sizes = [128, 1], strides = [1, 1]} : vector<128x3xf32> to vector<128x1xf32>
    %mul3A_134 = vector.broadcast %slice3A_133 : vector<128x1xf32> to vector<128x64xf32>
    %mul3A_135 = arith.mulf %mul3A_134, %get3A_99 : vector<128x64xf32>
    %slice3A_136 = vector.extract_strided_slice %concatenate3A {offsets = [0, 1], sizes = [128, 1], strides = [1, 1]} : vector<128x3xf32> to vector<128x1xf32>
    %mul3A_137 = vector.broadcast %slice3A_136 : vector<128x1xf32> to vector<128x64xf32>
    %mul3A_138 = arith.mulf %mul3A_137, %get3A_102 : vector<128x64xf32>
    %add3A_139 = arith.addf %mul3A_135, %mul3A_138 : vector<128x64xf32>
    %slice3A_140 = vector.extract_strided_slice %concatenate3A {offsets = [0, 2], sizes = [128, 1], strides = [1, 1]} : vector<128x3xf32> to vector<128x1xf32>
    %mul3A_141 = vector.broadcast %slice3A_140 : vector<128x1xf32> to vector<128x64xf32>
    %mul3A_142 = arith.mulf %mul3A_141, %get3A_105 : vector<128x64xf32>
    %add3A_143 = arith.addf %add3A_139, %mul3A_142 : vector<128x64xf32>
    %swap3A_144 = arith.constant 0 : index
    %swap3A_145 = arith.constant 0 : index
    %swap3A_146 = vector.load %arg11[%swap3A_144, %swap3A_145] : memref<128x64xf32, #tpu.memory_space<vmem>>, vector<128x64xf32>
    tpu.vector_store %arg11[%swap3A_144, %swap3A_145], %add3A_143 {strides = array<i32>} : memref<128x64xf32, #tpu.memory_space<vmem>>, vector<128x64xf32>,
    return
  }
  func.func @transform_0(%arg0: i32) -> (i32, i32) {
    %c0_i32 = arith.constant 0 : i32
    %c0_i32_0 = arith.constant 0 : i32
    return %arg0, %c0_i32 : i32, i32
  }
  func.func @transform_1(%arg0: i32) -> (i32, i32) {
    %c0_i32 = arith.constant 0 : i32
    %c0_i32_0 = arith.constant 0 : i32
    return %arg0, %c0_i32 : i32, i32
  }
  func.func @transform_2(%arg0: i32) -> (i32, i32) {
    %c0_i32 = arith.constant 0 : i32
    %c0_i32_0 = arith.constant 0 : i32
    return %arg0, %c0_i32 : i32, i32
  }
  func.func @transform_3(%arg0: i32) -> (i32, i32) {
    %c0_i32 = arith.constant 0 : i32
    %c0_i32_0 = arith.constant 0 : i32
    return %arg0, %c0_i32 : i32, i32
  }
  func.func @transform_4(%arg0: i32) -> (i32, i32) {
    %c0_i32 = arith.constant 0 : i32
    %c0_i32_0 = arith.constant 0 : i32
    return %arg0, %c0_i32 : i32, i32
  }
  func.func @transform_5(%arg0: i32) -> (i32, i32) {
    %c0_i32 = arith.constant 0 : i32
    %c0_i32_0 = arith.constant 0 : i32
    return %arg0, %c0_i32 : i32, i32
  }
  func.func @transform_6(%arg0: i32) -> (i32, i32) {
    %c0_i32 = arith.constant 0 : i32
    %c0_i32_0 = arith.constant 0 : i32
    return %arg0, %c0_i32 : i32, i32
  }
  func.func @transform_7(%arg0: i32) -> (i32, i32) {
    %c0_i32 = arith.constant 0 : i32
    %c0_i32_0 = arith.constant 0 : i32
    %c0_i32_1 = arith.constant 0 : i32
    return %c0_i32, %c0_i32_0 : i32, i32
  }
  func.func @transform_8(%arg0: i32) -> (i32, i32) {
    %c0_i32 = arith.constant 0 : i32
    %c0_i32_0 = arith.constant 0 : i32
    return %arg0, %c0_i32 : i32, i32
  }
  func.func @transform_9(%arg0: i32) -> (i32, i32) {
    %c0_i32 = arith.constant 0 : i32
    %c0_i32_0 = arith.constant 0 : i32
    return %arg0, %c0_i32 : i32, i32
  }
  func.func @transform_10(%arg0: i32) -> (i32, i32) {
    %c0_i32 = arith.constant 0 : i32
    %c0_i32_0 = arith.constant 0 : i32
    return %arg0, %c0_i32 : i32, i32
  }
}

</mosaic_0001>

<sc_bundles>
// kernel: kernel.5.cloned.1.call-start
scs
__scs_entry_jumppad:
0x0: {  	(pc) =	sbr.rel $0x88, $3  }
0x1: {  	(tag) =	ssettag $0x0;
	lr =	simm.s32 $0x1  }
0x2: {  	[smem:$0x3F9E] =	sst lr;
	_ =	strace $0xD0000000  }
0x3: {  	_ = 	snop  }
0x4: {  	_ = 	snop  }
0x5: {  	_ = 	snop  }
0x6: {  	_ = 	snop  }
0x7: {  	_ = 	snop  }
__scs_overlays_trampoline_lowered:
0x8: {  	[smem:$0x3FAD] =	sst s0  }
0x9: {  	[smem:$0x3FAE] =	sst s1  }
0xa: {  	[smem:$0x3FAF] =	sst s2  }
0xb: {  	[smem:$0x3FB0] =	sst s3  }
0xc: {  	[smem:$0x3FB1] =	sst s4  }
0xd: {  	[smem:$0x3FB2] =	sst s5  }
0xe: {  	[smem:$0x3FB3] =	sst s6  }
0xf: {  	[smem:$0x3FB4] =	sst s7  }
0x10: {  	[smem:$0x3FB5] =	sst s8  }
0x11: {  	[smem:$0x3FB6] =	sst s9;
	s0 =	simm.s32 @!p0 $0x0  }
0x12: {  	s1 =	sld [smem:$0x3F9C];
	s0 =	simm.s32 @p0 $0x1  }
0x13: {  	[smem:$0x3FB7] =	sst s0;
	s0 =	simm.s32 @!p1 $0x0  }
0x14: {  	s2 =	sld [smem:$0x3F9B];
	s0 =	simm.s32 @p1 $0x1  }
0x15: {  	[smem:$0x3FB8] =	sst s0;
	s0 =	simm.s32 @!p2 $0x0  }
0x16: {  	s3 =	sld [smem:$0x3FDB];
	s0 =	simm.s32 @p2 $0x1  }
0x17: {  	s4 =	simm.s32 $0x1BF5;
	[smem:$0x3FBA] =	sst s0  }
0x18: {  	s0 =	sld [smem:$0x3F9D];
	_ =	swait.ge [sflag:s4], $0x0  }
0x19: {  	s7 =	sld [smem:$0x3F9E]  }
0x1a: {  	s8 =	sadd.s32 $0xFFFFE003, lr  }
0x1b: {  	s9 =	sadd.s32 $0xFFFFFEF7, lr;
	s5 =	simm.s32 $0xFFFFFFFF;
	p2 =	slt.u32 s8, $0xFFFFF086  }
0x1c: {  	p1 =	slt.u32 s9, $0xF7A;
	s5 =	simm.s32 @!p2 $0x0  }
0x1d: {  	s5 =	simm.s32 @p1 $0x1;
	p0 =	seq.s32 s7, s2  }
0x1e: {  	s7 =	smul.u32 @!p0 $0xF7A, s2;
	p2 =	seq.s32 @!p0 s5, $0x0  }
0x1f: {  	s9 =	smul.u32 $0xF7A, s1;
	s8 =	simm.s32 @!p0 $0x1BF5;
	p2 =	por !p2, p0  }
0x20: {  	[sflag:s8] =	ssyncset.s32 @!p0 $0xFFFFF086;
	s6 =	sadd.s32 @!p0 s3, s7;
	s7 =	simm.s32 @!p0 $0x108  }
0x21: {  	s3 =	sadd.s32 s3, s9;
	s6 =	sadd.s32 @!p0 $0x88, s6;
	s7 =	simm.s32 @p2 $0x1082  }
0x22: {  	[simem:s7], [sflag:s8] =	dma.local @!p0 [hbm:s6], $0xF7A  }
0x23: {  	s9 =	sor.u32 $0xD0000000, s2;
	s6 =	simm.s32 $0x108;
	_ =	swait.ge @!p0 [sflag:s8], $0x0  }
0x24: {  	s3 =	sadd.s32 $0x88, s3;
	s6 =	simm.s32 @!p1 $0x1082;
	[sflag:s4] =	ssyncset.s32 $0xFFFFF086  }
0x25: {  	[simem:s6], [sflag:s4] =	dma.local [hbm:s3], $0xF7A  }
0x26: {  	[smem:$0x3F9E] =	sst s1;
	(tag) =	ssettag s2;
	_ =	strace s9  }
0x27: {  	s1 =	sld [smem:$0x3FAE]  }
0x28: {  	s2 =	sld [smem:$0x3FAF]  }
0x29: {  	s4 =	sld [smem:$0x3FB1]  }
0x2a: {  	p0 =	seq.s32 s5, $0x0;
	s5 =	sld [smem:$0x3FB2]  }
0x2b: {  	s6 =	sld [smem:$0x3FB3]  }
0x2c: {  	s7 =	sld [smem:$0x3FB4]  }
0x2d: {  	s3 =	simm.s32 $0x108;
	s8 =	sld [smem:$0x3FB5]  }
0x2e: {  	s3 =	simm.s32 @!p0 $0x1082;
	s9 =	sld [smem:$0x3FB6]  }
0x2f: {  	lr =	sadd.s32 s0, s3;
	s0 =	sld [smem:$0x3FAD]  }
0x30: {  	s3 =	sld [smem:$0x3FB0]  }
0x31: {  	[smem:$0x3FB9] =	sst s10  }
0x32: {  	s10 =	sld [smem:$0x3FB7];
	_ =	sdelay $0x3  }
0x33: {  	p0 =	seq.s32 s10, $0x1;
	s10 =	sld [smem:$0x3FB9];
	_ =	sdelay $0x3  }
0x34: {  	[smem:$0x3FB9] =	sst s10  }
0x35: {  	s10 =	sld [smem:$0x3FB8];
	_ =	sdelay $0x3  }
0x36: {  	p1 =	seq.s32 s10, $0x1;
	s10 =	sld [smem:$0x3FB9];
	_ =	sdelay $0x3  }
0x37: {  	[smem:$0x3FB9] =	sst s10  }
0x38: {  	s10 =	sld [smem:$0x3FBA]  }
0x39: {  	_ = 	snop;
	(pc) =	sbr.ind lr, $3  }
0x3a: {  	_ = 	snop  }
0x3b: {  	_ = 	snop  }
0x3c: {  	p2 =	seq.s32 s10, $0x1;
	s10 =	sld [smem:$0x3FB9]  }
0x3d: {  	_ =	shalt  }
0x3e: {  	_ =	shalt  }
0x3f: {  	_ =	shalt  }
0x40: {  	_ =	shalt  }
0x41: {  	_ =	shalt  }
0x42: {  	_ =	shalt  }
0x43: {  	_ =	shalt  }
0x44: {  	_ =	shalt  }
0x45: {  	_ =	shalt  }
0x46: {  	_ =	shalt  }
0x47: {  	_ =	shalt  }
0x48: {  	_ =	shalt  }
0x49: {  	_ =	shalt  }
0x4a: {  	_ =	shalt  }
0x4b: {  	_ =	shalt  }
0x4c: {  	_ =	shalt  }
0x4d: {  	_ =	shalt  }
0x4e: {  	_ =	shalt  }
0x4f: {  	_ =	shalt  }
0x50: {  	_ =	shalt  }
0x51: {  	_ =	shalt  }
0x52: {  	_ =	shalt  }
0x53: {  	_ =	shalt  }
0x54: {  	_ =	shalt  }
0x55: {  	_ =	shalt  }
0x56: {  	_ =	shalt  }
0x57: {  	_ =	shalt  }
0x58: {  	_ =	shalt  }
0x59: {  	_ =	shalt  }
0x5a: {  	_ =	shalt  }
0x5b: {  	_ =	shalt  }
0x5c: {  	_ =	shalt  }
0x5d: {  	_ =	shalt  }
0x5e: {  	_ =	shalt  }
0x5f: {  	_ =	shalt  }
0x60: {  	_ =	shalt  }
0x61: {  	_ =	shalt  }
0x62: {  	_ =	shalt  }
0x63: {  	_ =	shalt  }
0x64: {  	_ =	shalt  }
0x65: {  	_ =	shalt  }
0x66: {  	_ =	shalt  }
0x67: {  	_ =	shalt  }
0x68: {  	_ =	shalt  }
0x69: {  	_ =	shalt  }
0x6a: {  	_ =	shalt  }
0x6b: {  	_ =	shalt  }
0x6c: {  	_ =	shalt  }
0x6d: {  	_ =	shalt  }
0x6e: {  	_ =	shalt  }
0x6f: {  	_ =	shalt  }
0x70: {  	_ =	shalt  }
0x71: {  	_ =	shalt  }
0x72: {  	_ =	shalt  }
0x73: {  	_ =	shalt  }
0x74: {  	_ =	shalt  }
0x75: {  	_ =	shalt  }
0x76: {  	_ =	shalt  }
0x77: {  	_ =	shalt  }
0x78: {  	_ =	shalt  }
0x79: {  	_ =	shalt  }
0x7a: {  	_ =	shalt  }
0x7b: {  	_ =	shalt  }
0x7c: {  	_ =	shalt  }
0x7d: {  	_ =	shalt  }
0x7e: {  	_ =	shalt  }
0x7f: {  	_ =	shalt  }
0x80: {  	_ =	shalt  }
0x81: {  	_ =	shalt  }
0x82: {  	_ =	shalt  }
0x83: {  	_ =	shalt  }
0x84: {  	_ =	shalt  }
0x85: {  	_ =	shalt  }
0x86: {  	_ =	shalt  }
0x87: {  	_ =	shalt  }
.Lfunc_end0:
.L_simem_size_0:
called_computation_lowered:
.L_overlay_start_0:
0x88: {  	s2 =	sld [smem:$0x3FD9]  }
0x89: {  	s3 =	sld [smem:$0x3FFE];
	_ =	sdelay $0x1  }
0x8a: {  	s1 =	srdreg.scid  }
0x8b: {  	s0 =	sand.u32 $0x1, s1  }
0x8c: {  	s16 =	sshll.u32 s0, $0xA;
	s2 =	sadd.s32 s3, s2  }
0x8d: {  	s2 =	sadd.s32 s2, s16  }
0x8e: {  	[smem:$0x3FC5] =	sst s2  }
0x8f: {  	_ = 	snop  }
0x90: {  	(tm) =	ssettm $0x1  }
0x91: {  	s17 =	sld [smem:$0x3FFB];
	_ =	sdelay $0x3  }
0x92: {  	_ =	strace s17  }
0x93: {  	s2 =	sld [smem:$0x3FFC];
	_ =	sdelay $0x3  }
0x94: {  	_ =	strace s2  }
0x95: {  	s2 =	sld [smem:$0x3FFD];
	_ =	sdelay $0x3  }
0x96: {  	_ =	strace s2  }
0x97: {  	_ =	strace $0x8FFFFFFF  }
0x98: {  	s18 =	sld [smem:$0x3FDB];
	_ =	sdelay $0x1  }
0x99: {  	s19 =	simm.s32 $_scs_section_size  }
0x9a: {  	s4 =	simm.s32 $_size__tile_overlayer_lowered;
	s5 =	simm.s32 $_tile_overlayer_lowered  }
0x9b: {  	s22 =	simm.s32 $0x1BFF;
	s21 =	sshll.u32 s5, $0x1;
	s2 =	sadd.s32 s19, s18  }
0x9c: {  	s6 =	simm.s32 $0x0;
	s20 =	sshll.u32 s4, $0x1;
	s4 =	sadd.s32 s21, s2  }
0x9d: {  	[timem:s6], [sflag:s22] =	dma.local [hbm:s4], s20  }
0x9e: {  	_ =	swait.ge [sflag:s22], s20  }
0x9f: {  	s3 =	ssub.s32 $0x0, s20;
	[sflag:s22] =	ssyncset.done $0x0  }
0xa0: {  	[sflag:s22] =	ssyncadd.s32 s3;
	_ =	sdelay $0x1  }
0xa1: {  	s23 =	simm.s32 $0x1B8B  }
0xa2: {  	_ =	swait.ge [sflag:s23], $0x1  }
0xa3: {  	[sflag:s23] =	ssyncset.done $0x0  }
0xa4: {  	s25 =	simm.s32 $0x1B8E;
	s24 =	sld [smem:$0x3FFE];
	[sflag:s23] =	ssyncadd.s32 $0xFFFFFFFF  }
0xa5: {  	s26 =	simm.s32 $execute0_lowered;
	[smem:$0x3FD2] =	sst s25  }
0xa6: {  	s4 =	sshll.u32 s26, $0x1;
	_ =	strace $0x80000046;
	[dreg:$0x1] =	wrdreg $0xFFFFFFFF  }
0xa7: {  	s28 =	simm.s32 $_size_execute0_lowered;
	s2 =	sadd.s32 s2, s4;
	[dreg:$0x0] =	wrdreg $0x0  }
0xa8: {  	s4 =	sshll.u32 s28, $0x1;
	[dreg:$0x2] =	wrdreg s2  }
0xa9: {  	[dreg:$0x3] =	wrdreg s4  }
0xaa: {  	[dreg:$0x4] =	wrdreg $0xC0  }
0xab: {  	_ =	task [dreg:s6], $0x5FFFF  }
0xac: {  	[dreg:$0x1] =	wrdreg $0xFFFFFFFF  }
0xad: {  	[dreg:$0x0] =	wrdreg $0x60  }
0xae: {  	[dreg:$0x2] =	wrdreg s24  }
0xaf: {  	[dreg:$0x3] =	wrdreg $0x9  }
0xb0: {  	_ =	task.clear_ibuf [dreg:s6], $0x4FFFF;
	_ =	strace $0x90000046  }
0xb1: {  	s29 =	simm.s32 $0x9;
	_ =	strace $0x80000048  }
0xb2: {  	_ =	swait.ge [sflag:s29], $0x1  }
0xb3: {  	[sflag:s29] =	ssyncadd.s32 $0xFFFFFFFF  }
0xb4: {  	_ =	strace $0x90000048  }
0xb5: {  	_ =	sfence  }
0xb6: {  	s30 =	sld [smem:$0x0];
	_ =	sdelay $0x2  }
0xb7: {  	s31 =	sshll.u32 s1, $0xD;
	s1 =	sshrl.u32 s1, $0x2  }
0xb8: {  	s3 =	sand.u32 $0x4000, s31;
	s1 =	sadd.s32 s1, s30  }
0xb9: {  	s0 =	sor.u32 s3, s0;
	s1 =	sshll.u32 s1, $0x11  }
0xba: {  	s0 =	sor.u32 s1, s0  }
0xbb: {  	s0 =	sadd.s32 $0x8F2B, s0  }
0xbc: {  	[sflag:s0] =	ssyncadd.remote.s32 $0x1  }
0xbd: {  	_ =	sfence.sel $0xFFFF  }
0xbe: {  	[dreg:$0x0] =	wrdreg $0xFFFFFFFF;
	(pc) =	sbr.abs _section_cstart, $3  }
0xbf: {  	[dreg:$0x1] =	wrdreg $0xFFFFFFFF  }
0xc0: {  	_ =	task.clear_ibuf [dreg:s6], $0x2FFFF;
	_ =	strace $0x9FFFFFFF  }
0xc1: {  	(tm) =	ssettm $0x7FFFFFFF  }
tec
execute0_lowered:
.L_overlay_start_1:
0x0: {  	(tag) =	ssettag $0x1  }
0x1: {  	s0 =	rddreg [dreg:$0x0];
	s1 =	srdreg.scid  }
0x2: {  	s3 =	stileid.u32;
	s2 =	simm.s32 $0x0;
	s11 =	simm.s32 $0x1  }
0x3: {  	s18 =	simm.s32 $0x0;
	s1 =	sand.u32 $0x1, s1;
	s3 =	sshll.u32 s3, $0x1  }
0x4: {  	[smem:$0x7FF] =	sst s2;
	s4 =	sadd.s32 $0x3000, s0;
	s29 =	sadd.s32 $0x2C00, s0  }
0x5: {  	s30 =	sadd.s32 $0x2800, s0;
	s3 =	sor.u32 s1, s3;
	_ =	strace $0x80000047  }
0x6: {  	[dreg:$0x2] =	wrdreg s4;
	s1 =	ssub.s32 $0x2, s1;
	s3 =	smul.u32 $0x50, s3  }
0x7: {  	s6 =	sadd.s32 $0x3400, s0;
	[dreg:$0x3] =	wrdreg s29;
	s5 =	sshrl.u32 s1, $0x1  }
0x8: {  	s1 =	ssub.s32 s1, s5;
	s31 =	sshrl.u32 s3, $0x3;
	s3 =	sadd.s32 $0x1600, s3  }
0x9: {  	[dreg:$0x4] =	wrdreg s30;
	s10 =	smax.u32 s1, $0x1;
	s0 =	sadd.s32 s31, s0;
	v0 =	vmov s3  }
0xa: {  	s7 =	sadd.s32 $0x3800, s0;
	s8 =	sadd.s32 $0x3A00, s0;
	s9 =	sadd.s32 $0x3C00, s0;
	[tilespmem:$0x1FFF0] =	vst v0  }
.LBB2_1:
0xb: {  	s0 =	rddreg [dreg:$0x2]  }
0xc: {  	[tilespmem:s2], [sflag:$0x1] =	stream.linear.gather [hbm4b:s0+s2], $0x2000, $0x38;
	[tilespmem:$0x8180] =	vst v63  }
0xd: {  	_ =	swait.ge [sflag:s11], $0x2000  }
0xe: {  	[sflag:s11] =	ssyncset.done $0x0  }
0xf: {  	s1 =	simm.s32 $0x2000;
	s28 =	rddreg [dreg:$0x3];
	[sflag:s11] =	ssyncadd.s32 $0xFFFFE000  }
0x10: {  	[tilespmem:s1], [sflag:$0x1] =	stream.linear.gather [hbm4b:s28+s2], $0x2000, $0x38;
	[tilespmem:$0x8180] =	vst v63  }
0x11: {  	_ =	swait.ge [sflag:s11], $0x2000  }
0x12: {  	[sflag:s11] =	ssyncset.done $0x0  }
0x13: {  	s30 =	simm.s32 $0x4000;
	s29 =	rddreg [dreg:$0x4];
	[sflag:s11] =	ssyncadd.s32 $0xFFFFE000  }
0x14: {  	[tilespmem:s30], [sflag:$0x1] =	stream.linear.gather [hbm4b:s29+s2], $0x2000, $0x38;
	[tilespmem:$0x8180] =	vst v63  }
0x15: {  	_ =	swait.ge [sflag:s11], $0x2000  }
0x16: {  	[sflag:s11] =	ssyncset.done $0x0  }
0x17: {  	s31 =	simm.s32 $0x6000;
	[sflag:s11] =	ssyncadd.s32 $0xFFFFE000  }
0x18: {  	[tilespmem:s31], [sflag:$0x1] =	stream.linear.gather [hbm4b:s6+s2], $0x2000, $0x38;
	[tilespmem:$0x8180] =	vst v63  }
0x19: {  	_ =	swait.ge [sflag:s11], $0x2000  }
0x1a: {  	[sflag:s11] =	ssyncset.done $0x0  }
0x1b: {  	s19 =	simm.s32 $0x0;
	[sflag:s11] =	ssyncadd.s32 $0xFFFFE000  }
.LBB2_2:
0x1c: {  	s22 =	simm.s32 $0x6000  }
0x1d: {  	s23 =	simm.s32 $0x4000;
	v2 =	vld [tilespmem:s22+$0x0]  }
0x1e: {  	s24 =	simm.s32 $0x0;
	v5 =	vld [tilespmem:s23+$0x0]  }
0x1f: {  	s25 =	simm.s32 $0x2000;
	v6 =	vld [tilespmem:s24+$0x0]  }
0x20: {  	v0 =	vld [tilespmem:s25+$0x0];
	_ =	sdelay $0x2  }
0x21: {  	v1 =	vbroadcast v2, $0xE  }
0x22: {  	v11 =	vbroadcast v5, $0xF;
	v10 =	vbroadcast v6, $0xF  }
0x23: {  	v12 =	vbroadcast v0, $0xF;
	v14 =	vbroadcast v5, $0xE  }
0x24: {  	v15 =	vbroadcast v6, $0xE;
	v31 =	vbroadcast v0, $0xE  }
0x25: {  	v18 =	vbroadcast v5, $0xD;
	v22 =	vbroadcast v6, $0xD  }
0x26: {  	v32 =	vbroadcast v0, $0xD;
	v24 =	vbroadcast v5, $0xC  }
0x27: {  	v27 =	vbroadcast v6, $0xC;
	v28 =	vbroadcast v0, $0xC  }
0x28: {  	v9 =	vbroadcast v2, $0x9;
	[tilespmem:$0x1FF30] =	vst v1;
	v1 =	vbroadcast v2, $0xD  }
0x29: {  	v29 =	vbroadcast v5, $0xB;
	v30 =	vbroadcast v6, $0xB  }
0x2a: {  	v33 =	vbroadcast v0, $0xB;
	[tilespmem:$0x1FF40] =	vst v1;
	v1 =	vbroadcast v2, $0xC  }
0x2b: {  	v3 =	vbroadcast v2, $0x8;
	v35 =	vbroadcast v5, $0xA  }
0x2c: {  	v36 =	vbroadcast v6, $0xA;
	[tilespmem:$0x1FF50] =	vst v1;
	v1 =	vbroadcast v2, $0xB  }
0x2d: {  	v37 =	vbroadcast v0, $0xA;
	v7 =	vbroadcast v2, $0x7  }
0x2e: {  	v38 =	vbroadcast v5, $0x9;
	[tilespmem:$0x1FF60] =	vst v1;
	v1 =	vbroadcast v2, $0xA  }
0x2f: {  	v39 =	vbroadcast v6, $0x9;
	v40 =	vbroadcast v0, $0x9  }
0x30: {  	v8 =	vbroadcast v2, $0x6;
	v41 =	vbroadcast v5, $0x8;
	[tilespmem:$0x1FF70] =	vst v1;
	v1 =	vld [tilespmem:$0x1FFF0]  }
0x31: {  	v42 =	vbroadcast v6, $0x8;
	v44 =	vbroadcast v0, $0x8  }
0x32: {  	v46 =	vbroadcast v2, $0x5;
	v48 =	vbroadcast v5, $0x7  }
0x33: {  	v49 =	vbroadcast v6, $0x7;
	v50 =	vbroadcast v0, $0x7  }
0x34: {  	v51 =	vbroadcast v2, $0x4;
	v52 =	vbroadcast v5, $0x6  }
0x35: {  	v53 =	vbroadcast v6, $0x6;
	v54 =	vbroadcast v0, $0x6  }
0x36: {  	v55 =	vbroadcast v2, $0x3;
	v56 =	vbroadcast v5, $0x5  }
0x37: {  	s20 =	sshll.u32 s19, $0x4;
	v57 =	vbroadcast v6, $0x5;
	v58 =	vbroadcast v0, $0x5  }
0x38: {  	v59 =	vbroadcast v5, $0x4;
	v60 =	vbroadcast v6, $0x4;
	v4 =	vld.idx.msk [tilespmem:v1+s20+$0x0 ss:$0x1], $0xffff  }
0x39: {  	v61 =	vbroadcast v0, $0x4;
	v62 =	vbroadcast v5, $0x3;
	v25 =	vld.idx.msk [tilespmem:v1+s20+$0x4000 ss:$0x1], $0xffff  }
0x3a: {  	v43 =	vbroadcast v6, $0x3;
	v63 =	vbroadcast v0, $0x3;
	v26 =	vld.idx.msk [tilespmem:v1+s20+$0x2000 ss:$0x1], $0xffff  }
0x3b: {  	v21 =	vbroadcast v5, $0x2;
	v34 =	vbroadcast v6, $0x2  }
0x3c: {  	v45 =	vbroadcast v0, $0x2;
	v47 =	vbroadcast v6, $0x1  }
0x3d: {  	v20 =	vbroadcast v5, $0x1;
	v23 =	vbroadcast v5, $0x0;
	v4 =	vadd.f32 v4, v4  }
0x3e: {  	v19 =	vbroadcast v0, $0x1;
	v17 =	vbroadcast v6, $0x0;
	v5 =	vadd.f32 v25, v25  }
0x3f: {  	v0 =	vbroadcast v0, $0x0;
	v6 =	vadd.f32 v26, v26;
	v1 =	vmul.f32 v10, v4  }
0x40: {  	v25 =	vmul.f32 v22, v4;
	v24 =	vmul.f32 v24, v5  }
0x41: {  	v26 =	vmul.f32 v32, v6;
	v16 =	vmul.f32 v28, v6  }
0x42: {  	v17 =	vmul.f32 v17, v4;
	v0 =	vmul.f32 v0, v6  }
0x43: {  	v22 =	vmul.f32 v47, v4;
	v19 =	vmul.f32 v19, v6  }
0x44: {  	v28 =	vbroadcast v2, $0x1;
	[tilespmem:$0x1FF80] =	vst v1;
	v1 =	vmul.f32 v11, v5  }
0x45: {  	v20 =	vmul.f32 v20, v5;
	v21 =	vmul.f32 v21, v5  }
0x46: {  	v0 =	vadd.f32 v0, v17;
	v17 =	vmul.f32 v23, v5;
	[tilespmem:$0x1FF90] =	vst v1;
	v1 =	vmul.f32 v14, v5  }
0x47: {  	v23 =	vmul.f32 v34, v4;
	v19 =	vadd.f32 v19, v22;
	v22 =	vmul.f32 v63, v6  }
0x48: {  	v63 =	vmul.f32 v59, v5;
	[tilespmem:$0x1FFA0] =	vst v1;
	v1 =	vmul.f32 v12, v6  }
0x49: {  	v0 =	vadd.f32 v17, v0;
	v17 =	vmul.f32 v45, v6;
	v45 =	vmul.f32 v35, v5  }
0x4a: {  	v19 =	vadd.f32 v20, v19;
	v20 =	vmul.f32 v36, v4;
	[tilespmem:$0x1FFB0] =	vst v1;
	v1 =	vmul.f32 v15, v4  }
0x4b: {  	v35 =	vmul.f32 v37, v6;
	v36 =	vmul.f32 v39, v4;
	v17 =	vadd.f32 v17, v23  }
0x4c: {  	v39 =	vmul.f32 v40, v6;
	[tilespmem:$0x1FFC0] =	vst v1;
	v1 =	vmul.f32 v31, v6  }
0x4d: {  	v15 =	vmul.f32 v27, v4;
	v27 =	vbroadcast v2, $0x2;
	v21 =	vadd.f32 v21, v17  }
0x4e: {  	v23 =	vmul.f32 v33, v6;
	[tilespmem:$0x1FFD0] =	vst v1;
	v1 =	vmul.f32 v18, v5  }
0x4f: {  	v33 =	vmul.f32 v54, v6;
	v40 =	vsub.f32 v27, v21;
	v21 =	vmul.f32 v53, v4  }
0x50: {  	[tilespmem:$0x1FFE0] =	vst v1;
	v1 =	vmul.f32 v30, v4;
	v30 =	vbroadcast v2, $0x0  }
0x51: {  	v27 =	vmul.f32 v62, v5;
	v62 =	vmul.f32 v58, v6  }
0x52: {  	v18 =	vmul.f32 v29, v5;
	v29 =	vmul.f32 v49, v4;
	v47 =	vsub.f32 v30, v0  }
0x53: {  	v0 =	vmul.f32 v43, v4;
	v43 =	vsub.f32 v28, v19;
	v19 =	vmul.f32 v60, v4  }
0x54: {  	v60 =	vmul.f32 v38, v5;
	v38 =	vmul.f32 v41, v5  }
0x55: {  	v17 =	vimm.f32 $+Inf;
	v28 =	vmul.f32 v42, v4;
	v41 =	vmul.f32 v48, v5  }
0x56: {  	v42 =	vmul.f32 v52, v5;
	v30 =	vmul.f32 v50, v6;
	v0 =	vadd.f32 v22, v0  }
0x57: {  	v22 =	vmul.f32 v61, v6;
	v61 =	vmul.f32 v57, v4;
	vm7 =	vlt.f32 v47, v17  }
0x58: {  	v57 =	vadd.f32 v35, v20;
	v20 =	vimm.f32 $+Inf;
	v53 =	vsel vm7, v47, v17  }
0x59: {  	v19 =	vadd.f32 v22, v19;
	v22 =	vimm.s32 $0x0;
	v0 =	vadd.f32 v27, v0  }
0x5a: {  	v27 =	vmul.f32 v56, v5;
	vm6 =	vlt.f32 v43, v53;
	v48 =	vadd.f32 v62, v61  }
0x5b: {  	s5 =	simm.s32 $0x0;
	v56 =	vadd.f32 v23, v1;
	v23 =	vimm.f32 $+Inf;
	v52 =	vsel vm6, v43, v53  }
0x5c: {  	s4 =	simm.s32 $0x1;
	v37 =	vsub.f32 v55, v0;
	v55 =	vsel vm7, s5, v22;
	v0 =	vadd.f32 v63, v19  }
0x5d: {  	vm5 =	vlt.f32 v40, v52;
	v19 =	vadd.f32 v33, v21;
	v54 =	vsel vm6, s4, v55  }
0x5e: {  	s15 =	simm.s32 $0x2;
	v50 =	vsel vm5, v40, v52;
	v33 =	vsub.f32 v51, v0;
	v0 =	vadd.f32 v27, v48  }
0x5f: {  	v21 =	vadd.f32 v30, v29;
	vm4 =	vlt.f32 v37, v50;
	v51 =	vsel vm5, s15, v54  }
0x60: {  	s0 =	simm.s32 $0x3;
	v48 =	vsel vm4, v37, v50;
	v30 =	vsub.f32 v46, v0;
	v0 =	vadd.f32 v42, v19  }
0x61: {  	v49 =	vsel vm4, s0, v51;
	vm11 =	vlt.f32 v33, v48;
	v19 =	vmul.f32 v44, v6  }
0x62: {  	s31 =	simm.s32 $0x4;
	v44 =	vsel vm11, v33, v48;
	v29 =	vsub.f32 v8, v0;
	v0 =	vadd.f32 v41, v21  }
0x63: {  	s30 =	simm.s32 $0x5;
	v46 =	vsel vm11, s31, v49;
	vm2 =	vlt.f32 v30, v44;
	v19 =	vadd.f32 v19, v28  }
0x64: {  	v41 =	vsel vm2, v30, v44;
	v42 =	vsel vm2, s30, v46;
	v28 =	vsub.f32 v7, v0  }
0x65: {  	s29 =	simm.s32 $0x6;
	vm1 =	vlt.f32 v29, v41;
	v0 =	vadd.f32 v39, v36;
	v19 =	vadd.f32 v38, v19  }
0x66: {  	v21 =	vimm.s32 $0x0;
	v38 =	vsel vm1, v29, v41;
	v39 =	vsel vm1, s29, v42  }
0x67: {  	s28 =	simm.s32 $0x7;
	vm9 =	vlt.f32 v28, v38;
	v27 =	vsub.f32 v3, v19;
	v58 =	vadd.f32 v60, v0  }
0x68: {  	s21 =	simm.s32 $0xF;
	s26 =	simm.s32 $0x1F;
	v19 =	vimm.s32 $0x0;
	v35 =	vsel vm9, v28, v38;
	v36 =	vsel vm9, s28, v39  }
.LBB2_3:
0x69: {  	v1 =	vld [tilespmem:$0x1FF70];
	_ =	sdelay $0x2  }
0x6a: {  	v0 =	vadd.f32 v45, v57;
	_ =	sdelay $0x1  }
0x6b: {  	v57 =	vsub.f32 v1, v0;
	v1 =	vld [tilespmem:$0x1FF60];
	_ =	sdelay $0x2  }
0x6c: {  	v0 =	vadd.f32 v18, v56  }
0x6d: {  	vm15 =	vlt.f32 v27, v35;
	v3 =	vld [tilespmem:$0x1FFD0];
	v60 =	vsub.f32 v9, v58  }
0x6e: {  	v58 =	vsel vm15, v27, v35;
	v34 =	vsub.f32 v1, v0;
	v1 =	vld [tilespmem:$0x1FFC0]  }
0x6f: {  	vm14 =	vlt.f32 v60, v58  }
0x70: {  	v45 =	vsel vm14, v60, v58  }
0x71: {  	vm13 =	vlt.f32 v57, v45  }
0x72: {  	v31 =	vsel vm13, v57, v45  }
0x73: {  	vm0 =	vlt.f32 v34, v31;
	v8 =	vadd.f32 v3, v1;
	v1 =	vimm.s32 $0x0  }
0x74: {  	v1 =	vsel vm0, $0xFFFFFFFF, v1  }
0x75: {  	[tilespmem:$0x1FE60] =	vst v1;
	v1 =	vld [tilespmem:$0x1FF50]  }
0x76: {  	v16 =	vadd.f32 v16, v15;
	_ =	sdelay $0x1  }
0x77: {  	v0 =	vadd.f32 v24, v16  }
0x78: {  	v3 =	vld [tilespmem:$0x1FFB0]  }
0x79: {  	v15 =	vsub.f32 v1, v0;
	v1 =	vld [tilespmem:$0x1FF80];
	_ =	sdelay $0x2  }
0x7a: {  	v0 =	vld [tilespmem:$0x1FFE0];
	_ =	sdelay $0x1  }
0x7b: {  	v7 =	vadd.f32 v3, v1;
	v1 =	vld [tilespmem:$0x1FF40]  }
0x7c: {  	v13 =	vadd.f32 v26, v25;
	_ =	sdelay $0x1  }
0x7d: {  	s12 =	sadd.s32 $0xFFFFFFF9, s21;
	v0 =	vadd.f32 v0, v13  }
0x7e: {  	s1 =	sadd.s32 $0xFFFFFFFA, s21;
	v59 =	vsel vm15, s12, v36;
	v25 =	vsel vm0, v34, v31  }
0x7f: {  	s13 =	sadd.s32 $0xFFFFFFFB, s21;
	v56 =	vsel vm14, s1, v59;
	vm12 =	vlt.f32 v15, v25;
	v24 =	vsub.f32 v1, v0  }
0x80: {  	s14 =	sadd.s32 $0xFFFFFFFC, s21;
	v32 =	vsel vm13, s13, v56;
	v16 =	vsel vm12, v15, v25  }
0x81: {  	v26 =	vsel vm0, s14, v32;
	v0 =	vld [tilespmem:$0x1FFA0];
	v1 =	vimm.s32 $0x0;
	vm0 =	vlt.f32 v24, v16  }
0x82: {  	v1 =	vsel vm0, $0xFFFFFFFF, v1  }
0x83: {  	[tilespmem:$0x1FE70] =	vst v1;
	v1 =	vld [tilespmem:$0x1FF30];
	_ =	sdelay $0x2  }
0x84: {  	v0 =	vadd.f32 v0, v8;
	_ =	sdelay $0x1  }
0x85: {  	s22 =	sadd.s32 $0x10, s22;
	v14 =	vsub.f32 v1, v0;
	v0 =	vld [tilespmem:$0x1FF90]  }
0x86: {  	s23 =	sadd.s32 $0x10, s23;
	v61 =	vld [tilespmem:s22+$0x0]  }
0x87: {  	v10 =	vld [tilespmem:s23+$0x0];
	_ =	sdelay $0x2  }
0x88: {  	v3 =	vbroadcast v2, $0xF;
	v0 =	vadd.f32 v0, v7  }
0x89: {  	s16 =	sadd.s32 $0xFFFFFFFD, s21;
	v1 =	vbroadcast v61, $0xE  }
0x8a: {  	s17 =	sadd.s32 $0xFFFFFFFE, s21;
	v18 =	vsel vm12, s16, v26;
	v7 =	vsub.f32 v3, v0;
	v0 =	vbroadcast v10, $0xF  }
0x8b: {  	v2 =	vmov v61;
	v12 =	vsel vm0, v24, v16;
	v13 =	vsel vm0, s17, v18;
	[tilespmem:$0x1FF30] =	vst v1  }
0x8c: {  	vm0 =	vlt.f32 v14, v12;
	v1 =	vimm.s32 $0x0;
	[tilespmem:$0x1FEA0] =	vst v0;
	v0 =	vbroadcast v2, $0xD  }
0x8d: {  	s3 =	sadd.s32 $0xFFFFFFFF, s21;
	vm8 =	vlt.f32 v47, v20;
	v1 =	vsel vm0, $0xFFFFFFFF, v1;
	v8 =	vsel vm0, v14, v12  }
0x8e: {  	v11 =	vsel vm0, s3, v13;
	vm3 =	vlt.f32 v7, v8;
	[tilespmem:$0x1FF40] =	vst v0;
	v0 =	vimm.s32 $0x0  }
0x8f: {  	vm0 =	vlt.f32 v47, v17;
	v0 =	vsel vm3, $0xFFFFFFFF, v0;
	vm3 =	vmmov vm9  }
0x90: {  	[tilespmem:$0x1FE90] =	vst v0;
	v0 =	vsel vm0, v47, v17;
	v17 =	vsel vm0, s5, v22;
	v22 =	vsel vm8, s5, v19  }
0x91: {  	v0 =	vsel vm8, v20, v0;
	v20 =	vsel vm8, v47, v20;
	v21 =	vsel vm7, v21, v22  }
0x92: {  	[tilespmem:$0x1FE80] =	vst v1;
	v1 =	vld [tilespmem:$0x1FE60];
	v17 =	vsel vm8, v19, v17;
	v20 =	vsel vm7, v23, v20;
	vm0 =	vlt.f32 v43, v0  }
0x93: {  	vm8 =	vlt.f32 v43, v20;
	v0 =	vsel vm0, v43, v0;
	v17 =	vsel vm0, s4, v17  }
0x94: {  	v0 =	vsel vm8, v20, v0;
	v19 =	vsel vm8, v43, v20;
	v20 =	vsel vm8, s4, v21  }
0x95: {  	v17 =	vsel vm8, v21, v17;
	v19 =	vsel vm6, v53, v19;
	v20 =	vsel vm6, v55, v20  }
0x96: {  	vm10 =	vlt.f32 v40, v0;
	v53 =	vbroadcast v10, $0x7;
	vm7 =	vlt.f32 v40, v19  }
0x97: {  	v0 =	vsel vm10, v40, v0;
	v17 =	vsel vm10, s15, v17;
	vm10 =	vnez.u8 v1  }
0x98: {  	v0 =	vsel vm7, v19, v0;
	v19 =	vsel vm7, v40, v19;
	v22 =	vsel vm7, s15, v20  }
0x99: {  	v17 =	vsel vm7, v20, v17;
	v19 =	vsel vm5, v52, v19;
	vm6 =	vlt.f32 v37, v0  }
0x9a: {  	v22 =	vsel vm5, v54, v22;
	vm9 =	vlt.f32 v37, v19;
	v0 =	vsel vm6, v37, v0  }
0x9b: {  	v17 =	vsel vm6, s0, v17;
	v0 =	vsel vm9, v19, v0;
	v19 =	vsel vm9, v37, v19  }
0x9c: {  	v21 =	vsel vm9, s0, v22;
	v17 =	vsel vm9, v22, v17;
	v19 =	vsel vm4, v50, v19  }
0x9d: {  	v21 =	vsel vm4, v51, v21;
	vm0 =	vlt.f32 v33, v0;
	v51 =	vbroadcast v10, $0x8  }
0x9e: {  	vm8 =	vlt.f32 v33, v19;
	v0 =	vsel vm0, v33, v0;
	v17 =	vsel vm0, s31, v17  }
0x9f: {  	v0 =	vsel vm8, v19, v0;
	v19 =	vsel vm8, v33, v19;
	v23 =	vsel vm8, s31, v21  }
0xa0: {  	v17 =	vsel vm8, v21, v17;
	v33 =	vbroadcast v2, $0x4;
	v19 =	vsel vm11, v48, v19  }
0xa1: {  	v1 =	vld [tilespmem:$0x1FE70];
	v23 =	vsel vm11, v49, v23;
	vm5 =	vlt.f32 v30, v0;
	v48 =	vbroadcast v10, $0x9  }
0xa2: {  	vm7 =	vlt.f32 v30, v19;
	v0 =	vsel vm5, v30, v0;
	v17 =	vsel vm5, s30, v17  }
0xa3: {  	v0 =	vsel vm7, v19, v0;
	v19 =	vsel vm7, v30, v19;
	v20 =	vsel vm7, s30, v23  }
0xa4: {  	v19 =	vsel vm2, v44, v19;
	v20 =	vsel vm2, v46, v20;
	vm2 =	vlt.f32 v29, v0  }
0xa5: {  	v17 =	vsel vm7, v23, v17;
	vm4 =	vlt.f32 v29, v19;
	v0 =	vsel vm2, v29, v0  }
0xa6: {  	v17 =	vsel vm2, s29, v17;
	vm2 =	vnez.u8 v1;
	v0 =	vsel vm4, v19, v0  }
0xa7: {  	v19 =	vsel vm4, v29, v19;
	v29 =	vsel vm4, s29, v20;
	v17 =	vsel vm4, v20, v17  }
0xa8: {  	v19 =	vsel vm1, v41, v19;
	v29 =	vsel vm1, v42, v29;
	vm6 =	vlt.f32 v28, v0  }
0xa9: {  	v42 =	vbroadcast v10, $0xB;
	vm1 =	vlt.f32 v28, v19;
	v0 =	vsel vm6, v28, v0  }
0xaa: {  	v1 =	vld [tilespmem:$0x1FE80];
	v17 =	vsel vm6, s28, v17;
	v0 =	vsel vm1, v19, v0;
	v19 =	vsel vm1, v28, v19  }
0xab: {  	v22 =	vsel vm1, s28, v29;
	v19 =	vsel vm3, v38, v19;
	vm9 =	vlt.f32 v27, v0  }
0xac: {  	v22 =	vsel vm3, v39, v22;
	vm0 =	vlt.f32 v27, v19;
	v0 =	vsel vm9, v27, v0  }
0xad: {  	v0 =	vsel vm0, v19, v0;
	v19 =	vsel vm0, v27, v19;
	v27 =	vsel vm0, s12, v22  }
0xae: {  	v19 =	vsel vm15, v35, v19;
	v27 =	vsel vm15, v36, v27;
	vm15 =	vlt.f32 v60, v0  }
0xaf: {  	vm6 =	vnez.u8 v1;
	vm3 =	vlt.f32 v60, v19;
	v0 =	vsel vm15, v60, v0  }
0xb0: {  	v39 =	vbroadcast v10, $0xC;
	v0 =	vsel vm3, v19, v0;
	v19 =	vsel vm3, v60, v19  }
0xb1: {  	v21 =	vsel vm3, s1, v27;
	v19 =	vsel vm14, v58, v19;
	vm8 =	vlt.f32 v57, v0  }
0xb2: {  	v28 =	vsel vm14, v59, v21;
	vm5 =	vlt.f32 v57, v19;
	v0 =	vsel vm8, v57, v0  }
0xb3: {  	v0 =	vsel vm5, v19, v0;
	v19 =	vsel vm5, v57, v19;
	v21 =	vsel vm5, s13, v28  }
0xb4: {  	v19 =	vsel vm13, v45, v19;
	v30 =	vsel vm13, v56, v21;
	vm13 =	vlt.f32 v34, v0  }
0xb5: {  	v36 =	vbroadcast v10, $0xD;
	vm7 =	vlt.f32 v34, v19;
	v0 =	vsel vm13, v34, v0  }
0xb6: {  	v60 =	vbroadcast v10, $0x5;
	v0 =	vsel vm7, v19, v0;
	v19 =	vsel vm7, v34, v19  }
0xb7: {  	v21 =	vsel vm7, s14, v30;
	v19 =	vsel vm10, v31, v19;
	vm14 =	vlt.f32 v15, v0  }
0xb8: {  	v31 =	vsel vm10, v32, v21;
	vm11 =	vlt.f32 v15, v19;
	v0 =	vsel vm14, v15, v0  }
0xb9: {  	v0 =	vsel vm11, v19, v0;
	v15 =	vsel vm11, v15, v19;
	v19 =	vsel vm11, s16, v31  }
0xba: {  	v15 =	vsel vm12, v25, v15;
	v25 =	vsel vm12, v26, v19;
	vm12 =	vlt.f32 v24, v0  }
0xbb: {  	s25 =	sadd.s32 $0x10, s25;
	v60 =	vmul.f32 v60, v5;
	vm4 =	vlt.f32 v24, v15;
	v0 =	vsel vm12, v24, v0  }
0xbc: {  	v57 =	vbroadcast v10, $0x6;
	v0 =	vsel vm4, v15, v0;
	v15 =	vsel vm4, v24, v15;
	v24 =	vld [tilespmem:s25+$0x0]  }
0xbd: {  	v45 =	vbroadcast v10, $0xA;
	v19 =	vsel vm4, s17, v25;
	v16 =	vsel vm2, v16, v15  }
0xbe: {  	v18 =	vsel vm2, v18, v19;
	vm10 =	vlt.f32 v14, v0;
	vm2 =	vlt.f32 v14, v16  }
0xbf: {  	v26 =	vbroadcast v10, $0xE;
	v0 =	vsel vm10, v14, v0;
	v14 =	vsel vm2, v14, v16  }
0xc0: {  	v0 =	vsel vm2, v16, v0;
	v16 =	vsel vm2, s3, v18;
	v12 =	vsel vm6, v12, v14  }
0xc1: {  	s24 =	sadd.s32 $0x10, s24;
	v1 =	vld [tilespmem:$0x1FE90];
	v14 =	vsel vm6, v13, v16;
	v16 =	vbroadcast v24, $0xF;
	v34 =	vbroadcast v24, $0xE  }
0xc2: {  	v15 =	vld [tilespmem:s24+$0x0];
	vm6 =	vlt.f32 v7, v0;
	v38 =	vbroadcast v24, $0xD;
	v41 =	vbroadcast v24, $0xC  }
0xc3: {  	v13 =	vsel vm1, v29, v17;
	v44 =	vbroadcast v24, $0xB;
	v47 =	vbroadcast v24, $0xA  }
0xc4: {  	vm1 =	vlt.f32 v7, v12;
	v50 =	vbroadcast v24, $0x9;
	v52 =	vbroadcast v24, $0x8  }
0xc5: {  	v0 =	vsel vm6, v7, v0;
	v55 =	vbroadcast v24, $0x7;
	v59 =	vbroadcast v24, $0x6  }
0xc6: {  	v13 =	vsel vm9, s12, v13;
	v62 =	vbroadcast v24, $0x5;
	v63 =	vbroadcast v24, $0x2  }
0xc7: {  	vm9 =	vnez.u8 v1;
	v19 =	vbroadcast v24, $0x1;
	v32 =	vbroadcast v15, $0xE  }
0xc8: {  	v0 =	vsel vm1, v12, v0;
	v37 =	vbroadcast v15, $0xD;
	v40 =	vbroadcast v15, $0xC  }
0xc9: {  	v23 =	vsel vm9, v7, v8;
	v43 =	vbroadcast v15, $0xB;
	v46 =	vbroadcast v15, $0xA  }
0xca: {  	v1 =	vsel vm9, s21, v11;
	v49 =	vbroadcast v15, $0x9;
	v54 =	vbroadcast v15, $0x7  }
0xcb: {  	v58 =	vbroadcast v15, $0x6;
	v61 =	vbroadcast v15, $0x5;
	[tilespmem:$0x1FED0] =	vst v0;
	v0 =	vsel vm1, v7, v12  }
0xcc: {  	v3 =	vbroadcast v15, $0x4;
	v12 =	vsel vm1, s21, v14;
	[tilespmem:$0x1FEC0] =	vst v1;
	v0 =	vsel vm9, v8, v0  }
0xcd: {  	v9 =	vbroadcast v15, $0x3;
	v1 =	vbroadcast v2, $0xC;
	[tilespmem:$0x1FEB0] =	vst v0;
	v0 =	vsel vm9, v11, v12  }
0xce: {  	v17 =	vbroadcast v15, $0x1;
	v11 =	vbroadcast v15, $0xF;
	[tilespmem:$0x1FEE0] =	vst v0;
	v0 =	vsel vm0, v22, v13  }
0xcf: {  	v7 =	vbroadcast v2, $0x0;
	[tilespmem:$0x1FF50] =	vst v1;
	v1 =	vbroadcast v2, $0xB;
	v0 =	vsel vm15, s1, v0  }
0xd0: {  	v35 =	vmul.f32 v38, v6;
	v11 =	vmul.f32 v11, v4;
	v0 =	vsel vm3, v27, v0  }
0xd1: {  	v56 =	vmul.f32 v44, v6;
	v44 =	vmul.f32 v57, v5;
	[tilespmem:$0x1FF60] =	vst v1;
	v0 =	vsel vm8, s13, v0  }
0xd2: {  	v19 =	vmul.f32 v19, v6;
	v1 =	vbroadcast v2, $0xA;
	[tilespmem:$0x1FF80] =	vst v11;
	v11 =	vld [tilespmem:$0x1FEA0];
	v0 =	vsel vm5, v28, v0  }
0xd3: {  	v63 =	vmul.f32 v63, v6;
	v8 =	vbroadcast v24, $0x4;
	v0 =	vsel vm13, s14, v0  }
0xd4: {  	v40 =	vmul.f32 v40, v4;
	[tilespmem:$0x1FF70] =	vst v1;
	v1 =	vbroadcast v2, $0x8;
	v0 =	vsel vm7, v30, v0  }
0xd5: {  	v38 =	vmul.f32 v49, v4;
	v17 =	vmul.f32 v17, v4;
	v0 =	vsel vm14, s16, v0  }
0xd6: {  	v3 =	vmul.f32 v3, v4;
	[tilespmem:$0x1FF10] =	vst v1;
	v1 =	vbroadcast v2, $0x7;
	v0 =	vsel vm11, v31, v0  }
0xd7: {  	v13 =	vbroadcast v10, $0x3;
	v11 =	vmul.f32 v11, v5;
	v0 =	vsel vm12, s17, v0  }
0xd8: {  	v22 =	vbroadcast v15, $0x2;
	[tilespmem:$0x1FF00] =	vst v1;
	v1 =	vbroadcast v2, $0x6;
	v0 =	vsel vm4, v25, v0  }
0xd9: {  	v31 =	vbroadcast v10, $0x1;
	[tilespmem:$0x1FF90] =	vst v11;
	v11 =	vmul.f32 v26, v5;
	v0 =	vsel vm10, s3, v0  }
0xda: {  	[tilespmem:$0x1FEF0] =	vst v1;
	v1 =	vbroadcast v10, $0x4;
	v25 =	vmul.f32 v37, v4;
	v0 =	vsel vm2, v18, v0  }
0xdb: {  	v18 =	vbroadcast v10, $0x2;
	[tilespmem:$0x1FFA0] =	vst v11;
	v11 =	vmul.f32 v16, v6;
	v0 =	vsel vm6, s21, v0  }
0xdc: {  	v21 =	vsel vm1, v14, v0;
	v0 =	vbroadcast v15, $0x8;
	v14 =	vbroadcast v24, $0x3  }
0xdd: {  	v15 =	vbroadcast v15, $0x0;
	v24 =	vbroadcast v24, $0x0  }
0xde: {  	v10 =	vbroadcast v10, $0x0;
	[tilespmem:$0x1FFB0] =	vst v11;
	v11 =	vmul.f32 v32, v4  }
0xdf: {  	v15 =	vmul.f32 v15, v4;
	v24 =	vmul.f32 v24, v6  }
0xe0: {  	v26 =	vmul.f32 v47, v6;
	v37 =	vmul.f32 v61, v4  }
0xe1: {  	v10 =	vmul.f32 v10, v5;
	[tilespmem:$0x1FFC0] =	vst v11;
	v11 =	vmul.f32 v34, v6;
	v15 =	vadd.f32 v24, v15  }
0xe2: {  	v61 =	vmul.f32 v62, v6;
	v62 =	vmul.f32 v22, v4  }
0xe3: {  	[tilespmem:$0x1FFD0] =	vst v11;
	v11 =	vmul.f32 v36, v5;
	v10 =	vadd.f32 v10, v15;
	v15 =	vadd.f32 v19, v17  }
0xe4: {  	v17 =	vmul.f32 v31, v5;
	v19 =	vadd.f32 v63, v62;
	v31 =	vmul.f32 v18, v5  }
0xe5: {  	[tilespmem:$0x1FFE0] =	vst v11;
	v11 =	vmul.f32 v43, v4;
	v47 =	vsub.f32 v7, v10;
	v7 =	vmul.f32 v8, v6  }
0xe6: {  	v49 =	vmul.f32 v59, v6;
	v27 =	vbroadcast v2, $0x2;
	v8 =	vadd.f32 v31, v19  }
0xe7: {  	v1 =	vmul.f32 v1, v5;
	[tilespmem:$0x1FF20] =	vst v11;
	v11 =	vmul.f32 v48, v5;
	v3 =	vadd.f32 v7, v3  }
0xe8: {  	v48 =	vmul.f32 v58, v4;
	v10 =	vadd.f32 v17, v15;
	v15 =	vmovc v40;
	v40 =	vsub.f32 v27, v8  }
0xe9: {  	v9 =	vmul.f32 v9, v4;
	v8 =	vadd.f32 v61, v37;
	v1 =	vadd.f32 v1, v3  }
0xea: {  	v13 =	vmul.f32 v13, v5;
	v14 =	vmul.f32 v14, v6;
	v3 =	vadd.f32 v49, v48  }
0xeb: {  	v30 =	vbroadcast v2, $0x5;
	v33 =	vsub.f32 v33, v1;
	v1 =	vadd.f32 v60, v8  }
0xec: {  	v28 =	vbroadcast v2, $0x3;
	v36 =	vmul.f32 v46, v4;
	v14 =	vadd.f32 v14, v9  }
0xed: {  	v46 =	vmul.f32 v55, v6;
	v30 =	vsub.f32 v30, v1;
	v1 =	vadd.f32 v44, v3;
	v3 =	vld [tilespmem:$0x1FEF0]  }
0xee: {  	v43 =	vmul.f32 v42, v5;
	v42 =	vmul.f32 v54, v4;
	v7 =	vadd.f32 v13, v14  }
0xef: {  	v29 =	vbroadcast v2, $0x9;
	v12 =	vbroadcast v2, $0x1  }
0xf0: {  	v34 =	vmul.f32 v53, v5;
	v37 =	vsub.f32 v28, v7;
	v7 =	vadd.f32 v46, v42  }
0xf1: {  	v18 =	vmov v43;
	v43 =	vsub.f32 v12, v10  }
0xf2: {  	v9 =	vmovc v29;
	vm7 =	vlt.f32 v47, v23;
	v29 =	vsub.f32 v3, v1;
	v1 =	vadd.f32 v34, v7;
	v7 =	vld [tilespmem:$0x1FF00]  }
0xf3: {  	v53 =	vsel vm7, v47, v23  }
0xf4: {  	vm6 =	vlt.f32 v43, v53  }
0xf5: {  	v16 =	vmul.f32 v41, v6;
	v41 =	vmul.f32 v52, v6;
	v22 =	vmovc v21;
	v21 =	vld [tilespmem:$0x1FEC0];
	v52 =	vsel vm6, v43, v53  }
0xf6: {  	v20 =	vmul.f32 v39, v5;
	v0 =	vmul.f32 v0, v4;
	vm5 =	vlt.f32 v40, v52  }
0xf7: {  	v32 =	vmul.f32 v50, v6;
	v50 =	vsel vm5, v40, v52;
	v28 =	vsub.f32 v7, v1;
	v1 =	vld [tilespmem:$0x1FF10]  }
0xf8: {  	v39 =	vmul.f32 v51, v5;
	v0 =	vadd.f32 v41, v0;
	vm4 =	vlt.f32 v37, v50  }
0xf9: {  	s5 =	sadd.s32 $0xFFFFFFF1, s26;
	v48 =	vsel vm4, v37, v50  }
0xfa: {  	s4 =	sadd.s32 $0xFFFFFFF2, s26;
	v0 =	vadd.f32 v39, v0;
	v55 =	vsel vm7, s5, v21;
	vm11 =	vlt.f32 v33, v48  }
0xfb: {  	s15 =	sadd.s32 $0xFFFFFFF3, s26;
	v54 =	vsel vm6, s4, v55;
	v44 =	vsel vm11, v33, v48  }
0xfc: {  	p0 =	sne.s32 s26, $0x1FFF;
	s0 =	sadd.s32 $0xFFFFFFF4, s26;
	v51 =	vsel vm5, s15, v54;
	vm2 =	vlt.f32 v30, v44;
	v27 =	vsub.f32 v1, v0;
	v0 =	vld [tilespmem:$0x1FF20]  }
.Ltmp0:
0xfd: {  	s31 =	sadd.s32 $0xFFFFFFF5, s26;
	v45 =	vmul.f32 v45, v5;
	v49 =	vsel vm4, s0, v51;
	v41 =	vsel vm2, v30, v44;
	(pc) =	sbr.rel @p0 .LBB2_3-.Ltmp0, $4  }
0xfe: {  	s30 =	sadd.s32 $0xFFFFFFF6, s26;
	v46 =	vsel vm11, s31, v49;
	v3 =	vadd.f32 v32, v38;
	vm1 =	vlt.f32 v29, v41  }
0xff: {  	s29 =	sadd.s32 $0xFFFFFFF7, s26;
	v24 =	vmovc v20;
	v20 =	vld [tilespmem:$0x1FEB0];
	v57 =	vadd.f32 v26, v36;
	v42 =	vsel vm2, s30, v46;
	v38 =	vsel vm1, v29, v41  }
0x100: {  	s28 =	sadd.s32 $0xFFFFFFF8, s26;
	v17 =	vld [tilespmem:$0x1FED0];
	v58 =	vadd.f32 v11, v3;
	v39 =	vsel vm1, s29, v42;
	vm9 =	vlt.f32 v28, v38  }
0x101: {  	s21 =	smov.u32 s26;
	s26 =	sadd.s32 $0x10, s26;
	v26 =	vmovc v35;
	v19 =	vld [tilespmem:$0x1FEE0];
	v35 =	vsel vm9, v28, v38;
	v36 =	vsel vm9, s28, v39;
	v56 =	vadd.f32 v56, v0  }
0x102: {  	_ = 	snop  }
0x103: {  	v9 =	vsub.f32 v9, v58;
	v15 =	vadd.f32 v16, v15;
	v31 =	vld [tilespmem:$0x1FF50]  }
0x104: {  	v10 =	vadd.f32 v45, v57;
	v2 =	vbroadcast v2, $0xF;
	vm0 =	vlt.f32 v47, v20  }
0x105: {  	v15 =	vadd.f32 v24, v15;
	vm8 =	vlt.f32 v47, v17;
	v0 =	vsel vm0, v47, v20  }
0x106: {  	v1 =	vsel vm8, v47, v17;
	v0 =	vsel vm7, v23, v0;
	v4 =	vsel vm0, s5, v19  }
0x107: {  	v3 =	vsel vm8, s5, v22;
	vm12 =	vlt.f32 v43, v0;
	v4 =	vsel vm7, v21, v4  }
0x108: {  	v1 =	vsel vm0, v20, v1;
	v3 =	vsel vm0, v19, v3;
	v15 =	vsub.f32 v31, v15  }
0x109: {  	v5 =	vsel vm12, v43, v0;
	v6 =	vsel vm12, s4, v4;
	vm13 =	vlt.f32 v43, v1  }
0x10a: {  	v5 =	vsel vm6, v53, v5;
	v6 =	vsel vm6, v55, v6;
	v1 =	vsel vm13, v43, v1  }
0x10b: {  	v3 =	vsel vm13, s4, v3;
	vm14 =	vlt.f32 v40, v5;
	v0 =	vsel vm12, v0, v1  }
0x10c: {  	v43 =	vsel vm12, v4, v3;
	v7 =	vsel vm14, v40, v5;
	v8 =	vsel vm14, s15, v6  }
0x10d: {  	vm10 =	vlt.f32 v40, v0;
	v7 =	vsel vm5, v52, v7;
	v8 =	vsel vm5, v54, v8  }
0x10e: {  	s1 =	sadd.s32 $0xFFFFFFF9, s21;
	vm5 =	vlt.f32 v27, v35;
	v0 =	vsel vm10, v40, v0;
	v1 =	vsel vm10, s15, v43  }
0x10f: {  	vm15 =	vlt.f32 v37, v7;
	v45 =	vsel vm5, v27, v35;
	v12 =	vsel vm5, s1, v36  }
0x110: {  	v0 =	vsel vm14, v5, v0;
	v1 =	vsel vm14, v6, v1;
	v47 =	vsel vm15, v37, v7  }
0x111: {  	v11 =	vsel vm15, s0, v8;
	vm6 =	vlt.f32 v9, v45;
	vm12 =	vlt.f32 v37, v0  }
0x112: {  	s3 =	sadd.s32 $0xFFFFFFFA, s21;
	v4 =	vsel vm4, v50, v47;
	v11 =	vsel vm4, v51, v11;
	v50 =	vsel vm6, v9, v45  }
0x113: {  	v0 =	vsel vm12, v37, v0;
	v1 =	vsel vm12, s0, v1;
	v53 =	vsel vm6, s3, v12  }
0x114: {  	v57 =	vld [tilespmem:$0x1FF60];
	vm4 =	vlt.f32 v33, v4;
	v0 =	vsel vm15, v7, v0;
	v1 =	vsel vm15, v8, v1  }
0x115: {  	v32 =	vld [tilespmem:$0x1FFE0];
	v13 =	vsel vm4, v33, v4;
	v14 =	vsel vm4, s31, v11;
	vm14 =	vlt.f32 v33, v0  }
0x116: {  	v13 =	vsel vm11, v48, v13;
	v14 =	vsel vm11, v49, v14;
	v49 =	vadd.f32 v18, v56  }
0x117: {  	v56 =	vadd.f32 v26, v25;
	v0 =	vsel vm14, v33, v0;
	v1 =	vsel vm14, s31, v1  }
0x118: {  	v48 =	vld [tilespmem:$0x1FF70];
	vm3 =	vlt.f32 v30, v13;
	v0 =	vsel vm4, v4, v0;
	v1 =	vsel vm4, v11, v1  }
0x119: {  	v51 =	vsel vm3, v30, v13;
	v52 =	vsel vm3, s30, v14;
	v16 =	vsub.f32 v57, v49  }
0x11a: {  	v21 =	vadd.f32 v32, v56;
	vm11 =	vlt.f32 v30, v0;
	v6 =	vsel vm2, v44, v51  }
0x11b: {  	v17 =	vsel vm2, v46, v52;
	v0 =	vsel vm11, v30, v0;
	vm2 =	vlt.f32 v29, v6  }
0x11c: {  	v1 =	vsel vm11, s30, v1;
	v0 =	vsel vm3, v13, v0;
	v54 =	vsel vm2, v29, v6  }
0x11d: {  	v10 =	vsub.f32 v48, v10;
	v55 =	vsel vm2, s29, v17;
	v19 =	vsel vm1, v41, v54  }
0x11e: {  	vm12 =	vlt.f32 v29, v0;
	v20 =	vsel vm1, v42, v55;
	vm1 =	vlt.f32 v28, v19  }
0x11f: {  	v1 =	vsel vm3, v14, v1;
	v0 =	vsel vm12, v29, v0;
	v59 =	vsel vm1, v28, v19  }
0x120: {  	v1 =	vsel vm12, s29, v1;
	vm13 =	vlt.f32 v10, v50;
	v8 =	vsel vm9, v38, v59  }
0x121: {  	v0 =	vsel vm2, v6, v0;
	v1 =	vsel vm2, v17, v1;
	vm0 =	vlt.f32 v27, v8  }
0x122: {  	s25 =	sadd.s32 $0xFFFFFFFB, s21;
	v58 =	vsel vm13, v10, v50;
	v60 =	vsel vm1, s28, v20;
	v62 =	vsel vm0, v27, v8  }
0x123: {  	v61 =	vsel vm13, s25, v53;
	v22 =	vsel vm9, v39, v60;
	v24 =	vsel vm5, v35, v62  }
0x124: {  	vm15 =	vlt.f32 v16, v58;
	v63 =	vsel vm0, s1, v22;
	vm4 =	vlt.f32 v9, v24  }
0x125: {  	s26 =	sadd.s32 $0xFFFFFFFC, s21;
	v33 =	vsel vm15, v16, v58;
	v25 =	vsel vm5, v36, v63;
	v35 =	vsel vm4, v9, v24  }
0x126: {  	v34 =	vsel vm15, s26, v61;
	v31 =	vsel vm4, s3, v25;
	v3 =	vsel vm6, v45, v35  }
0x127: {  	vm14 =	vlt.f32 v15, v33;
	v36 =	vsel vm6, v12, v31;
	vm5 =	vlt.f32 v10, v3  }
0x128: {  	v42 =	vsel vm14, v15, v33;
	v37 =	vsel vm5, v10, v3;
	v38 =	vsel vm5, s25, v36  }
0x129: {  	s29 =	sadd.s32 $0xFFFFFFFD, s21;
	v5 =	vsel vm13, v50, v37;
	v39 =	vsel vm13, v53, v38;
	vm13 =	vlt.f32 v28, v0  }
0x12a: {  	v46 =	vld [tilespmem:$0x1FF40];
	v43 =	vsel vm14, s29, v34;
	vm3 =	vlt.f32 v16, v5;
	v0 =	vsel vm13, v28, v0  }
0x12b: {  	v47 =	vld [tilespmem:$0x1FFC0];
	v1 =	vsel vm13, s28, v1;
	v40 =	vsel vm3, v16, v5;
	v13 =	vsel vm3, s26, v39  }
0x12c: {  	v48 =	vld [tilespmem:$0x1FFD0];
	v0 =	vsel vm1, v19, v0;
	v1 =	vsel vm1, v20, v1;
	v6 =	vsel vm15, v58, v40  }
0x12d: {  	v41 =	vsel vm15, v61, v13;
	vm15 =	vlt.f32 v27, v0;
	vm11 =	vlt.f32 v15, v6  }
0x12e: {  	v0 =	vsel vm15, v27, v0;
	v1 =	vsel vm15, s1, v1;
	v44 =	vsel vm11, v15, v6  }
0x12f: {  	v0 =	vsel vm0, v8, v0;
	v45 =	vsel vm11, s29, v41;
	v8 =	vsub.f32 v46, v21  }
0x130: {  	v1 =	vsel vm0, v22, v1;
	v17 =	vsel vm14, v33, v44;
	vm12 =	vlt.f32 v9, v0  }
0x131: {  	v4 =	vsel vm14, v34, v45;
	v0 =	vsel vm12, v9, v0;
	v9 =	vadd.f32 v48, v47  }
0x132: {  	v54 =	vld [tilespmem:$0x1FF80];
	vm13 =	vlt.f32 v8, v42;
	v1 =	vsel vm12, s3, v1;
	v0 =	vsel vm4, v24, v0  }
0x133: {  	s30 =	sadd.s32 $0xFFFFFFFE, s21;
	v53 =	vld [tilespmem:$0x1FFA0];
	vm15 =	vlt.f32 v8, v17;
	v49 =	vsel vm13, v8, v42;
	vm14 =	vlt.f32 v10, v0  }
0x134: {  	v55 =	vld [tilespmem:$0x1FFB0];
	v50 =	vsel vm13, s30, v43;
	v1 =	vsel vm4, v25, v1;
	v0 =	vsel vm14, v10, v0  }
0x135: {  	v56 =	vld [tilespmem:$0x1FF30];
	v51 =	vsel vm15, v8, v17;
	v52 =	vsel vm15, s30, v4;
	v0 =	vsel vm5, v3, v0  }
0x136: {  	v57 =	vld [tilespmem:$0x1FF90];
	v1 =	vsel vm14, s25, v1;
	v10 =	vsel vm13, v43, v52;
	vm7 =	vlt.f32 v16, v0  }
0x137: {  	v3 =	vsel vm13, v42, v51;
	v1 =	vsel vm5, v36, v1;
	v0 =	vsel vm7, v16, v0  }
0x138: {  	v1 =	vsel vm7, s26, v1;
	v0 =	vsel vm3, v5, v0;
	v5 =	vadd.f32 v53, v9  }
0x139: {  	v1 =	vsel vm3, v39, v1;
	v9 =	vadd.f32 v55, v54;
	vm8 =	vlt.f32 v15, v0  }
0x13a: {  	v0 =	vsel vm8, v15, v0;
	v5 =	vsub.f32 v56, v5;
	v1 =	vsel vm8, s29, v1  }
0x13b: {  	v0 =	vsel vm11, v6, v0;
	v6 =	vadd.f32 v57, v9;
	v1 =	vsel vm11, v41, v1  }
0x13c: {  	vm9 =	vlt.f32 v8, v0;
	vm10 =	vlt.f32 v5, v49;
	vm12 =	vlt.f32 v5, v3  }
0x13d: {  	s31 =	sadd.s32 $0xFFFFFFFF, s21;
	v0 =	vsel vm9, v8, v0;
	v2 =	vsub.f32 v2, v6;
	v58 =	vsel vm10, v5, v49  }
0x13e: {  	v59 =	vsel vm10, s31, v50;
	v1 =	vsel vm9, s30, v1;
	v60 =	vsel vm12, v5, v3  }
0x13f: {  	v61 =	vsel vm12, s31, v10;
	v0 =	vsel vm15, v17, v0;
	v1 =	vsel vm15, v4, v1  }
0x140: {  	v4 =	vsel vm10, v49, v60;
	vm11 =	vlt.f32 v5, v0;
	vm13 =	vlt.f32 v2, v58  }
0x141: {  	vm14 =	vlt.f32 v2, v4;
	v0 =	vsel vm11, v5, v0;
	v1 =	vsel vm11, s31, v1  }
0x142: {  	s19 =	sadd.s32 $0x1, s19;
	v63 =	vsel vm13, s21, v59;
	v0 =	vsel vm12, v3, v0;
	v3 =	vsel vm10, v50, v61  }
0x143: {  	p0 =	sne.s32 s19, $0x5;
	v1 =	vsel vm12, v10, v1;
	vm15 =	vlt.f32 v2, v0;
	v62 =	vsel vm14, s21, v3  }
.Ltmp1:
0x144: {  	v2 =	vcvt.s32.f32 v63;
	v0 =	vsel vm13, v59, v62;
	v1 =	vsel vm15, s21, v1;
	(pc) =	sbr.rel @p0 .LBB2_2-.Ltmp1, $4  }
0x145: {  	v1 =	vsel vm14, v3, v1;
	v0 =	vcvt.s32.f32 v0  }
0x146: {  	[tilespmem:s20+$0x8000] =	vst v2;
	v1 =	vcvt.s32.f32 v1  }
0x147: {  	[tilespmem:s20+$0x8080] =	vst v0  }
0x148: {  	[tilespmem:s20+$0x8100] =	vst v1  }
0x149: {  	s0 =	simm.s32 $0x8000  }
0x14a: {  	[hbm4b:s7+s2] =	stream.linear.scatter [tilespmem:s0], [sflag:$0x1], $0x50, $0x38;
	[tilespmem:$0x8180] =	vst v63  }
0x14b: {  	_ =	swait.ge [sflag:s11], $0x50  }
0x14c: {  	[sflag:s11] =	ssyncset.done $0x0  }
0x14d: {  	s30 =	simm.s32 $0x8080;
	[sflag:s11] =	ssyncadd.s32 $0xFFFFFFB0  }
0x14e: {  	[hbm4b:s8+s2] =	stream.linear.scatter [tilespmem:s30], [sflag:$0x1], $0x50, $0x38;
	[tilespmem:$0x8180] =	vst v63  }
0x14f: {  	s18 =	sadd.s32 $0x1, s18;
	_ =	swait.ge [sflag:s11], $0x50  }
0x150: {  	p0 =	sne.s32 s18, s10;
	[sflag:s11] =	ssyncset.done $0x0  }
.Ltmp2:
0x151: {  	s31 =	simm.s32 $0x8100;
	[sflag:s11] =	ssyncadd.s32 $0xFFFFFFB0;
	(pc) =	sbr.rel @p0 .LBB2_1-.Ltmp2, $4  }
0x152: {  	[hbm4b:s9+s2] =	stream.linear.scatter [tilespmem:s31], [sflag:$0x1], $0x50, $0x38;
	[tilespmem:$0x8180] =	vst v63  }
0x153: {  	_ =	swait.ge [sflag:s11], $0x50  }
0x154: {  	[sflag:s11] =	ssyncset.done $0x0  }
0x155: {  	[sflag:s11] =	ssyncadd.s32 $0xFFFFFFB0  }
0x156: {  	_ =	sfence.sel $0x180000  }
0x157: {  	[bflag:$0x0] =	sbarrier.arrive $0xFFFF  }
0x158: {  	_ =	strace $0x90000047  }
0x159: {  	s0 =	stileid.u32;
	[bflag:$0x2] =	sbarrier.arrive $0xFFFF  }
0x15a: {  	p0 =	sne.s32 s0, $0x0;
	s0 =	rddreg [dreg:$0x1]  }
0x15b: {  	s0 =	sadd.s32 @!p0 $0x100000, s0  }
0x15c: {  	[sflag:s0] =	ssyncadd.tile.s32 @!p0 $0x1;
	_ =	shalt  }
.Lfunc_end2:
_tile_overlayer_lowered:
.L_overlay_start_2:
0x15d: {  	(tag) =	ssettag $0x2  }
0x15e: {  	s0 =	rddreg [dreg:$0x0];
	s2 =	stileid.u32  }
0x15f: {  	s1 =	rddreg [dreg:$0x1];
	p0 =	sne.s32 s2, $0x0  }
0x160: {  	s3 =	rddreg [dreg:$0x2];
	[bflag:$0x3] =	sbarrier.arrive $0xFFFF;
	s2 =	simm.s32 @!p0 $0x1C01  }
0x161: {  	[timem:s3], [sflag:s2] =	dma.local @!p0 [hbm:s0], s1  }
0x162: {  	s0 =	simm.s32 @!p0 $0x1  }
0x163: {  	_ =	swait.ge @!p0 [sflag:s0], s1  }
0x164: {  	s1 =	ssub.s32 @!p0 $0x0, s1;
	[sflag:s0] =	ssyncset.done @!p0 $0x0  }
0x165: {  	[sflag:s0] =	ssyncadd.s32 @!p0 s1  }
0x166: {  	[bflag:$0x3] =	sbarrier.arrive $0xFFFF  }
0x167: {  	_ =	shalt  }

</sc_bundles>
